<compile_context>
chip_gen: v7x
topology: tpu7x:2x2x1
jax: 0.10.2.dev20260603
libtpu: 0.0.44.dev20260713+nightly
codegen_flags: <defaults>
</compile_context>

<pallas_src>
import functools

import numpy as np
import jax
import jax.numpy as jnp
from jax import lax
from jax.experimental import pallas as pl
from jax.experimental.pallas import tpu as pltpu
from jax.experimental.pallas import tpu_sc as plsc

_PERIOD = np.float32(365.25)
_TWO_PI = np.float32(2.0 * np.pi)
_N = 64
_B = 16384
_V = 100000
_VSPLIT = 51200

_NC = 2
_NS = 16
_NW = _NC * _NS
_BPW = _B // _NW
_CHUNK = 128
_NCHUNK = _BPW // _CHUNK

_FGRID = 8
_BVH = 6400
_BTF = _B // _FGRID

_BT = 4096
_GRID = _B // _BT

_INV2PI = np.float32(1.0 / (2.0 * np.pi))
_RC1 = np.float32(6.25)
_RC2 = np.float32(2.0 * np.pi - 6.25)
_COS_P = [np.float32(c) for c in (
    1.0, -0.49999991059303284, 0.04166650027036667, -0.0013887850800529122,
    2.4770743038970977e-05, -2.708605109091877e-07, 1.726593534812082e-09)]
_SIN_P = [np.float32(c) for c in (
    1.0, -0.1666666567325592, 0.008333321660757065, -0.0001984056580113247,
    2.7536434572539292e-06, -2.473357341159499e-08, 1.3627225736723148e-10)]


def _poly(s, coeffs):
    acc = jnp.full_like(s, coeffs[-1])
    for c in coeffs[-2::-1]:
        acc = acc * s + c
    return acc


def _bf16_bits(x):
    xi = lax.bitcast_convert_type(x, jnp.int32)
    lsb = lax.shift_right_logical(xi, 16) & 1
    return lax.shift_right_logical(xi + 0x7FFF + lsb, 16) & 0xFFFF


def _tc_fuse_body(at1_ref, bt1_ref, at2_ref, bt2_ref, at0_ref, bt0_ref,
                  tq_ref, pk_ref, tl_ref, th_ref):
    a0 = at0_ref[:, 0:1].T
    b0 = bt0_ref[:, 0:1].T
    a1 = at1_ref[...].T + a0
    b1 = bt1_ref[...].T + b0
    a2 = at2_ref[...].T + a0
    b2 = bt2_ref[...].T + b0
    w1 = lax.shift_left(_bf16_bits(b1), 16) | _bf16_bits(a1)
    w2 = lax.shift_left(_bf16_bits(b2), 16) | _bf16_bits(a2)
    pk_ref[...] = lax.bitcast_convert_type(
        jnp.concatenate([w1, w2], axis=1), jnp.float32)

    t = tq_ref[:, 0:1]
    par = tq_ref[:, 1:2]
    j = lax.broadcasted_iota(jnp.int32, (_BTF, 2 * _N), 1)
    n = ((j % _N) + 1).astype(jnp.float32)
    x = _TWO_PI * (_PERIOD * t) / n
    k = jnp.floor(x * _INV2PI + 0.5)
    r = (x - k * _RC1) - k * _RC2
    s = r * r
    cosv = _poly(s, _COS_P)
    sinv = r * _poly(s, _SIN_P)
    half = (j >= _N).astype(jnp.float32)
    pm = 1.0 - jnp.abs(half - par)
    tl_ref[...] = (cosv * pm).astype(jnp.bfloat16)
    th_ref[...] = (sinv * pm).astype(jnp.bfloat16)


def _tc_fuse_tables(a_t, b_t, tq):
    return pl.pallas_call(
        _tc_fuse_body,
        grid=(_FGRID,),
        in_specs=[
            pl.BlockSpec((_N, _BVH), lambda i: (0, i)),
            pl.BlockSpec((_N, _BVH), lambda i: (0, i)),
            pl.BlockSpec((_N, _BVH), lambda i: (0, i + _FGRID)),
            pl.BlockSpec((_N, _BVH), lambda i: (0, i + _FGRID)),
            pl.BlockSpec((_N, 128), lambda i: (0, 0)),
            pl.BlockSpec((_N, 128), lambda i: (0, 0)),
            pl.BlockSpec((_BTF, 2), lambda i: (i, 0)),
        ],
        out_specs=[
            pl.BlockSpec((_BVH, 2 * _N), lambda i: (i, 0)),
            pl.BlockSpec((_BTF, 2 * _N), lambda i: (i, 0)),
            pl.BlockSpec((_BTF, 2 * _N), lambda i: (i, 0)),
        ],
        out_shape=[
            jax.ShapeDtypeStruct((_VSPLIT, 2 * _N), jnp.float32),
            jax.ShapeDtypeStruct((_B, 2 * _N), jnp.bfloat16),
            jax.ShapeDtypeStruct((_B, 2 * _N), jnp.bfloat16),
        ],
    )(a_t, b_t, a_t, b_t, a_t, b_t, tq)


def _sc_gather(idm, ab_pack):
    mesh = plsc.VectorSubcoreMesh(core_axis_name="c", subcore_axis_name="s")

    @functools.partial(
        pl.kernel,
        mesh=mesh,
        compiler_params=pltpu.CompilerParams(use_tc_tiling_on_sc=False),
        out_type=jax.ShapeDtypeStruct((_B, 2 * _N), jnp.float32),
        scratch_types=[
            pltpu.VMEM((_BPW,), jnp.int32),
            pltpu.VMEM((_NCHUNK, _CHUNK, 2 * _N), jnp.float32),
            pltpu.SemaphoreType.DMA,
        ],
    )
    def k(id_hbm, ab_hbm, ab_out, idx_v, rows, sem):
        wid = lax.axis_index("s") * _NC + lax.axis_index("c")
        base = wid * _BPW
        pltpu.sync_copy(id_hbm.at[pl.ds(base, _BPW)], idx_v)
        copies = []
        for j in range(_NCHUNK):
            copies.append(pltpu.async_copy(
                ab_hbm.at[idx_v.at[pl.ds(j * _CHUNK, _CHUNK)]],
                rows.at[j], sem))
        for c in copies:
            c.wait()
        pltpu.sync_copy(rows.at[0], ab_out.at[pl.ds(base, _CHUNK)])
        pltpu.sync_copy(rows.at[1], ab_out.at[pl.ds(base + _CHUNK, _CHUNK)])
        pltpu.sync_copy(rows.at[2], ab_out.at[pl.ds(base + 2 * _CHUNK, _CHUNK)])
        pltpu.sync_copy(rows.at[3], ab_out.at[pl.ds(base + 3 * _CHUNK, _CHUNK)])

    return k(idm, ab_pack)


def _tc_reduce_body(tl_ref, th_ref, ab_ref, o_ref):
    w = lax.bitcast_convert_type(ab_ref[...], jnp.int32)
    lo = lax.bitcast_convert_type(lax.shift_left(w, 16), jnp.float32)
    hi = lax.bitcast_convert_type(w & np.int32(-65536), jnp.float32)
    tl = tl_ref[...].astype(jnp.float32)
    th = th_ref[...].astype(jnp.float32)
    o_ref[...] = jnp.sum(tl * lo + th * hi, axis=1)


def _tc_reduce(tl, th, ab_rows):
    return pl.pallas_call(
        _tc_reduce_body,
        grid=(_GRID,),
        in_specs=[
            pl.BlockSpec((_BT, 2 * _N), lambda i: (i, 0)),
            pl.BlockSpec((_BT, 2 * _N), lambda i: (i, 0)),
            pl.BlockSpec((_BT, 2 * _N), lambda i: (i, 0)),
        ],
        out_specs=pl.BlockSpec((_BT,), lambda i: (i,)),
        out_shape=jax.ShapeDtypeStruct((_B,), jnp.float32),
    )(tl, th, ab_rows)


def kernel(id, t, a_table, b_table):
    id_flat = id.astype(jnp.int32).reshape(_B)
    par = (id_flat >= _VSPLIT)
    idm = jnp.where(par, id_flat - _VSPLIT, id_flat)
    tq = jnp.concatenate(
        [t, par.astype(jnp.float32).reshape(_B, 1)], axis=1)
    ab_pack, tl, th = _tc_fuse_tables(a_table.T, b_table.T, tq)
    ab_rows = _sc_gather(idm, ab_pack)
    return _tc_reduce(tl, th, ab_rows).reshape(_B, 1)

# --- scband reference (transcript-rebuilt; emitter-appended) ---
"""Pipeline reference for scband-seasonal-embedding-43525198577834 (READ-ONLY COPY).

The authoritative reference and input builder live on the scoring server;
editing this copy changes nothing except your own understanding.
"""

import jax, jax.numpy as jnp
import numpy as np

INPUT_DIM = 100000
PERIOD = 365.25
N = 64
BATCH = 16384


def fourier_series(a_n, b_n, n, period, t):
    # Faithful to the original SeasonalMixin.fourier_series:
    #   x = 2*pi * (t * n) / period
    # NOTE: the original call site passes arguments in the order
    #   fourier_series(a, b, t_tensor, n_array, self.period)
    # so inside this function `n` is the time tensor [B,1], `period` is the
    # harmonic array [1,N], and `t` is the scalar period. We reproduce that
    # exact (buggy-looking but faithful) behavior at the call sites below.
    x = 2.0 * np.pi * (t * n) / period
    return (jnp.sum(jnp.cos(x) * a_n, axis=1, keepdims=True)
            + jnp.sum(jnp.sin(x) * b_n, axis=1, keepdims=True))


def setup_inputs(seed: int = 0) -> dict:
    key = jax.random.key(seed)
    k1, k2, k3, k4 = jax.random.split(key, 4)
    id_ = jax.random.randint(k1, (BATCH, 1), 0, INPUT_DIM)
    t = jax.random.uniform(k2, (BATCH, 1), dtype=jnp.float32) * PERIOD
    a_table = jax.random.normal(k3, (INPUT_DIM, N), dtype=jnp.float32) * 0.05
    b_table = jax.random.normal(k4, (INPUT_DIM, N), dtype=jnp.float32) * 0.05
    return {"id": id_, "t": t, "a_table": a_table, "b_table": b_table}


def reference(id, t, a_table, b_table):
    # harmonic indices n = 1..N, shape [1, N]
    n = (jnp.arange(N, dtype=jnp.float32) + 1.0)[None, :]
    # Embedding(input_length=1) on id [B,1] -> [B,1,N]; squeeze axis=1 -> [B,N]
    a_inst = jnp.squeeze(jnp.take(a_table, id, axis=0), axis=1)
    b_inst = jnp.squeeze(jnp.take(b_table, id, axis=0), axis=1)
    # Faithful argument order from the original call:
    # fourier_series(a, b, t, n, self.period)
    instance_trend = fourier_series(a_inst, b_inst, t, n, PERIOD)
    zeros = jnp.zeros_like(id)
    a_glob = jnp.squeeze(jnp.take(a_table, zeros, axis=0), axis=1)
    b_glob = jnp.squeeze(jnp.take(b_table, zeros, axis=0), axis=1)
    global_trend = fourier_series(a_glob, b_glob, t, n, PERIOD)
    return instance_trend + global_trend

if __name__ == "__main__":
    import jax
    _d = setup_inputs()
    print(jax.jit(kernel)(*tuple(_d.values())))

</pallas_src>

<mosaic_0001>
#map = affine_map<(d0, d1) -> (0)>
#map1 = affine_map<(d0, d1) -> (0, 0)>
module attributes {stable_mosaic.version = 14 : i64} {
  func.func @k(%arg0: i32, %arg1: i32, %arg2: memref<16384xi32, #tpu.memory_space<hbm>>, %arg3: memref<51200x128xf32, #tpu.memory_space<hbm>>, %arg4: memref<16384x128xf32, #tpu.memory_space<hbm>>, %arg5: memref<512xi32, #tpu.memory_space<vmem>>, %arg6: memref<4x128x128xf32, #tpu.memory_space<vmem>>, %arg7: memref<!tpu.dma_semaphore, #tpu.memory_space<semaphore_mem>>) attributes {dimension_semantics = [#tpu.dimension_semantics<core_parallel>, #tpu.dimension_semantics<subcore_parallel>], iteration_bounds = array<i64: 2, 16>, scalar_prefetch = 0 : i64, scratch_operands = 3 : i64, tpu.core_type = #tpu.core_type<sc_vector_subcore>, window_params = [{transform_indices = #map}, {transform_indices = #map1}, {transform_indices = #map1}]} {
    %mul3A = arith.constant 2 : i32
    %mul3A_0 = arith.muli %arg1, %mul3A : i32
    %add3A = arith.addi %mul3A_0, %arg0 : i32
    %mul3A_1 = arith.constant 512 : i32
    %mul3A_2 = arith.muli %add3A, %mul3A_1 : i32
    "tpu.region"() ({
      %run_scoped3A_90 = tpu.sem_alloc : memref<!tpu.dma_semaphore, #tpu.memory_space<semaphore_mem>>
      %dma_start3A_91 = tpu.memref_slice %arg2[%mul3A_2] : memref<16384xi32, #tpu.memory_space<hbm>> -> memref<512xi32, #tpu.memory_space<hbm>>
      %dma_start3A_92 = tpu.memref_slice %arg2[%mul3A_2] : memref<16384xi32, #tpu.memory_space<hbm>> -> memref<512xi32, #tpu.memory_space<hbm>>
      tpu.enqueue_dma source(%dma_start3A_92 : memref<512xi32, #tpu.memory_space<hbm>>) target(%arg5 : memref<512xi32, #tpu.memory_space<vmem>>) target_semaphore(%run_scoped3A_90 : memref<!tpu.dma_semaphore, #tpu.memory_space<semaphore_mem>>)
      %dma_wait3A_93 = tpu.memref_slice %arg2[%mul3A_2] : memref<16384xi32, #tpu.memory_space<hbm>> -> memref<512xi32, #tpu.memory_space<hbm>>
      %dma_wait3A_94 = tpu.memref_slice %arg2[%mul3A_2] : memref<16384xi32, #tpu.memory_space<hbm>> -> memref<512xi32, #tpu.memory_space<hbm>>
      tpu.wait_dma2 semaphore(%run_scoped3A_90 : memref<!tpu.dma_semaphore, #tpu.memory_space<semaphore_mem>>) src(%dma_wait3A_94 : memref<512xi32, #tpu.memory_space<hbm>>) dst(%arg5 : memref<512xi32, #tpu.memory_space<vmem>>)
      tpu.yield
    }) : () -> ()
    %dma_start3A = arith.constant 0 : i32
    %dma_start3A_3 = arith.constant 0 : i32
    %dma_start3A_4 = arith.constant 0 : i32
    %dma_start3A_5 = tpu.memref_slice %arg6[%dma_start3A, %dma_start3A_3, %dma_start3A_4] : memref<4x128x128xf32, #tpu.memory_space<vmem>> -> memref<1x128x128xf32, #tpu.memory_space<vmem>>
    %dma_start3A_6 = tpu.memref_squeeze %dma_start3A_5 : memref<1x128x128xf32, #tpu.memory_space<vmem>> -> memref<128x128xf32, #tpu.memory_space<vmem>>
    %dma_start3A_7 = arith.constant 0 : i32
    %dma_start3A_8 = tpu.memref_slice %arg5[%dma_start3A_7] : memref<512xi32, #tpu.memory_space<vmem>> -> memref<128xi32, #tpu.memory_space<vmem>>
    %dma_start3A_9 = arith.constant 0 : i32
    %dma_start3A_10 = arith.constant 0 : i32
    %dma_start3A_11 = tpu.memref_slice %arg3[%dma_start3A_9, %dma_start3A_10] : memref<51200x128xf32, #tpu.memory_space<hbm>> -> memref<51200x128xf32, #tpu.memory_space<hbm>>
    tpu.enqueue_indirect_dma source(%dma_start3A_11 : memref<51200x128xf32, #tpu.memory_space<hbm>>) target(%dma_start3A_6 : memref<128x128xf32, #tpu.memory_space<vmem>>) offsets(%dma_start3A_8 : memref<128xi32, #tpu.memory_space<vmem>>) semaphore(%arg7 : memref<!tpu.dma_semaphore, #tpu.memory_space<semaphore_mem>>)
    %dma_start3A_12 = arith.constant 1 : i32
    %dma_start3A_13 = arith.constant 0 : i32
    %dma_start3A_14 = arith.constant 0 : i32
    %dma_start3A_15 = tpu.memref_slice %arg6[%dma_start3A_12, %dma_start3A_13, %dma_start3A_14] : memref<4x128x128xf32, #tpu.memory_space<vmem>> -> memref<1x128x128xf32, #tpu.memory_space<vmem>>
    %dma_start3A_16 = tpu.memref_squeeze %dma_start3A_15 : memref<1x128x128xf32, #tpu.memory_space<vmem>> -> memref<128x128xf32, #tpu.memory_space<vmem>>
    %dma_start3A_17 = arith.constant 128 : i32
    %dma_start3A_18 = tpu.memref_slice %arg5[%dma_start3A_17] : memref<512xi32, #tpu.memory_space<vmem>> -> memref<128xi32, #tpu.memory_space<vmem>>
    %dma_start3A_19 = arith.constant 0 : i32
    %dma_start3A_20 = arith.constant 0 : i32
    %dma_start3A_21 = tpu.memref_slice %arg3[%dma_start3A_19, %dma_start3A_20] : memref<51200x128xf32, #tpu.memory_space<hbm>> -> memref<51200x128xf32, #tpu.memory_space<hbm>>
    tpu.enqueue_indirect_dma source(%dma_start3A_21 : memref<51200x128xf32, #tpu.memory_space<hbm>>) target(%dma_start3A_16 : memref<128x128xf32, #tpu.memory_space<vmem>>) offsets(%dma_start3A_18 : memref<128xi32, #tpu.memory_space<vmem>>) semaphore(%arg7 : memref<!tpu.dma_semaphore, #tpu.memory_space<semaphore_mem>>)
    %dma_start3A_22 = arith.constant 2 : i32
    %dma_start3A_23 = arith.constant 0 : i32
    %dma_start3A_24 = arith.constant 0 : i32
    %dma_start3A_25 = tpu.memref_slice %arg6[%dma_start3A_22, %dma_start3A_23, %dma_start3A_24] : memref<4x128x128xf32, #tpu.memory_space<vmem>> -> memref<1x128x128xf32, #tpu.memory_space<vmem>>
    %dma_start3A_26 = tpu.memref_squeeze %dma_start3A_25 : memref<1x128x128xf32, #tpu.memory_space<vmem>> -> memref<128x128xf32, #tpu.memory_space<vmem>>
    %dma_start3A_27 = arith.constant 256 : i32
    %dma_start3A_28 = tpu.memref_slice %arg5[%dma_start3A_27] : memref<512xi32, #tpu.memory_space<vmem>> -> memref<128xi32, #tpu.memory_space<vmem>>
    %dma_start3A_29 = arith.constant 0 : i32
    %dma_start3A_30 = arith.constant 0 : i32
    %dma_start3A_31 = tpu.memref_slice %arg3[%dma_start3A_29, %dma_start3A_30] : memref<51200x128xf32, #tpu.memory_space<hbm>> -> memref<51200x128xf32, #tpu.memory_space<hbm>>
    tpu.enqueue_indirect_dma source(%dma_start3A_31 : memref<51200x128xf32, #tpu.memory_space<hbm>>) target(%dma_start3A_26 : memref<128x128xf32, #tpu.memory_space<vmem>>) offsets(%dma_start3A_28 : memref<128xi32, #tpu.memory_space<vmem>>) semaphore(%arg7 : memref<!tpu.dma_semaphore, #tpu.memory_space<semaphore_mem>>)
    %dma_start3A_32 = arith.constant 3 : i32
    %dma_start3A_33 = arith.constant 0 : i32
    %dma_start3A_34 = arith.constant 0 : i32
    %dma_start3A_35 = tpu.memref_slice %arg6[%dma_start3A_32, %dma_start3A_33, %dma_start3A_34] : memref<4x128x128xf32, #tpu.memory_space<vmem>> -> memref<1x128x128xf32, #tpu.memory_space<vmem>>
    %dma_start3A_36 = tpu.memref_squeeze %dma_start3A_35 : memref<1x128x128xf32, #tpu.memory_space<vmem>> -> memref<128x128xf32, #tpu.memory_space<vmem>>
    %dma_start3A_37 = arith.constant 384 : i32
    %dma_start3A_38 = tpu.memref_slice %arg5[%dma_start3A_37] : memref<512xi32, #tpu.memory_space<vmem>> -> memref<128xi32, #tpu.memory_space<vmem>>
    %dma_start3A_39 = arith.constant 0 : i32
    %dma_start3A_40 = arith.constant 0 : i32
    %dma_start3A_41 = tpu.memref_slice %arg3[%dma_start3A_39, %dma_start3A_40] : memref<51200x128xf32, #tpu.memory_space<hbm>> -> memref<51200x128xf32, #tpu.memory_space<hbm>>
    tpu.enqueue_indirect_dma source(%dma_start3A_41 : memref<51200x128xf32, #tpu.memory_space<hbm>>) target(%dma_start3A_36 : memref<128x128xf32, #tpu.memory_space<vmem>>) offsets(%dma_start3A_38 : memref<128xi32, #tpu.memory_space<vmem>>) semaphore(%arg7 : memref<!tpu.dma_semaphore, #tpu.memory_space<semaphore_mem>>)
    %dma_wait3A = arith.constant 0 : i32
    %dma_wait3A_42 = arith.constant 0 : i32
    %dma_wait3A_43 = arith.constant 0 : i32
    %dma_wait3A_44 = tpu.memref_slice %arg6[%dma_wait3A, %dma_wait3A_42, %dma_wait3A_43] : memref<4x128x128xf32, #tpu.memory_space<vmem>> -> memref<1x128x128xf32, #tpu.memory_space<vmem>>
    %dma_wait3A_45 = tpu.memref_squeeze %dma_wait3A_44 : memref<1x128x128xf32, #tpu.memory_space<vmem>> -> memref<128x128xf32, #tpu.memory_space<vmem>>
    %dma_wait3A_46 = arith.constant 0 : i32
    %dma_wait3A_47 = tpu.memref_slice %arg5[%dma_wait3A_46] : memref<512xi32, #tpu.memory_space<vmem>> -> memref<128xi32, #tpu.memory_space<vmem>>
    %dma_wait3A_48 = arith.constant 0 : i32
    %dma_wait3A_49 = arith.constant 0 : i32
    %dma_wait3A_50 = tpu.memref_slice %arg3[%dma_wait3A_48, %dma_wait3A_49] : memref<51200x128xf32, #tpu.memory_space<hbm>> -> memref<51200x128xf32, #tpu.memory_space<hbm>>
    tpu.wait_indirect_dma semaphore(%arg7 : memref<!tpu.dma_semaphore, #tpu.memory_space<semaphore_mem>>) src(%dma_wait3A_50 : memref<51200x128xf32, #tpu.memory_space<hbm>>) dst(%dma_wait3A_45 : memref<128x128xf32, #tpu.memory_space<vmem>>)
    %dma_wait3A_51 = arith.constant 1 : i32
    %dma_wait3A_52 = arith.constant 0 : i32
    %dma_wait3A_53 = arith.constant 0 : i32
    %dma_wait3A_54 = tpu.memref_slice %arg6[%dma_wait3A_51, %dma_wait3A_52, %dma_wait3A_53] : memref<4x128x128xf32, #tpu.memory_space<vmem>> -> memref<1x128x128xf32, #tpu.memory_space<vmem>>
    %dma_wait3A_55 = tpu.memref_squeeze %dma_wait3A_54 : memref<1x128x128xf32, #tpu.memory_space<vmem>> -> memref<128x128xf32, #tpu.memory_space<vmem>>
    %dma_wait3A_56 = arith.constant 128 : i32
    %dma_wait3A_57 = tpu.memref_slice %arg5[%dma_wait3A_56] : memref<512xi32, #tpu.memory_space<vmem>> -> memref<128xi32, #tpu.memory_space<vmem>>
    %dma_wait3A_58 = arith.constant 0 : i32
    %dma_wait3A_59 = arith.constant 0 : i32
    %dma_wait3A_60 = tpu.memref_slice %arg3[%dma_wait3A_58, %dma_wait3A_59] : memref<51200x128xf32, #tpu.memory_space<hbm>> -> memref<51200x128xf32, #tpu.memory_space<hbm>>
    tpu.wait_indirect_dma semaphore(%arg7 : memref<!tpu.dma_semaphore, #tpu.memory_space<semaphore_mem>>) src(%dma_wait3A_60 : memref<51200x128xf32, #tpu.memory_space<hbm>>) dst(%dma_wait3A_55 : memref<128x128xf32, #tpu.memory_space<vmem>>)
    %dma_wait3A_61 = arith.constant 2 : i32
    %dma_wait3A_62 = arith.constant 0 : i32
    %dma_wait3A_63 = arith.constant 0 : i32
    %dma_wait3A_64 = tpu.memref_slice %arg6[%dma_wait3A_61, %dma_wait3A_62, %dma_wait3A_63] : memref<4x128x128xf32, #tpu.memory_space<vmem>> -> memref<1x128x128xf32, #tpu.memory_space<vmem>>
    %dma_wait3A_65 = tpu.memref_squeeze %dma_wait3A_64 : memref<1x128x128xf32, #tpu.memory_space<vmem>> -> memref<128x128xf32, #tpu.memory_space<vmem>>
    %dma_wait3A_66 = arith.constant 256 : i32
    %dma_wait3A_67 = tpu.memref_slice %arg5[%dma_wait3A_66] : memref<512xi32, #tpu.memory_space<vmem>> -> memref<128xi32, #tpu.memory_space<vmem>>
    %dma_wait3A_68 = arith.constant 0 : i32
    %dma_wait3A_69 = arith.constant 0 : i32
    %dma_wait3A_70 = tpu.memref_slice %arg3[%dma_wait3A_68, %dma_wait3A_69] : memref<51200x128xf32, #tpu.memory_space<hbm>> -> memref<51200x128xf32, #tpu.memory_space<hbm>>
    tpu.wait_indirect_dma semaphore(%arg7 : memref<!tpu.dma_semaphore, #tpu.memory_space<semaphore_mem>>) src(%dma_wait3A_70 : memref<51200x128xf32, #tpu.memory_space<hbm>>) dst(%dma_wait3A_65 : memref<128x128xf32, #tpu.memory_space<vmem>>)
    %dma_wait3A_71 = arith.constant 3 : i32
    %dma_wait3A_72 = arith.constant 0 : i32
    %dma_wait3A_73 = arith.constant 0 : i32
    %dma_wait3A_74 = tpu.memref_slice %arg6[%dma_wait3A_71, %dma_wait3A_72, %dma_wait3A_73] : memref<4x128x128xf32, #tpu.memory_space<vmem>> -> memref<1x128x128xf32, #tpu.memory_space<vmem>>
    %dma_wait3A_75 = tpu.memref_squeeze %dma_wait3A_74 : memref<1x128x128xf32, #tpu.memory_space<vmem>> -> memref<128x128xf32, #tpu.memory_space<vmem>>
    %dma_wait3A_76 = arith.constant 384 : i32
    %dma_wait3A_77 = tpu.memref_slice %arg5[%dma_wait3A_76] : memref<512xi32, #tpu.memory_space<vmem>> -> memref<128xi32, #tpu.memory_space<vmem>>
    %dma_wait3A_78 = arith.constant 0 : i32
    %dma_wait3A_79 = arith.constant 0 : i32
    %dma_wait3A_80 = tpu.memref_slice %arg3[%dma_wait3A_78, %dma_wait3A_79] : memref<51200x128xf32, #tpu.memory_space<hbm>> -> memref<51200x128xf32, #tpu.memory_space<hbm>>
    tpu.wait_indirect_dma semaphore(%arg7 : memref<!tpu.dma_semaphore, #tpu.memory_space<semaphore_mem>>) src(%dma_wait3A_80 : memref<51200x128xf32, #tpu.memory_space<hbm>>) dst(%dma_wait3A_75 : memref<128x128xf32, #tpu.memory_space<vmem>>)
    %run_scoped3A = arith.constant 0 : i32
    "tpu.region"() ({
      %run_scoped3A_90 = tpu.sem_alloc : memref<!tpu.dma_semaphore, #tpu.memory_space<semaphore_mem>>
      %dma_start3A_91 = arith.constant 0 : i32
      %dma_start3A_92 = arith.constant 0 : i32
      %dma_start3A_93 = tpu.memref_slice %arg6[%run_scoped3A, %dma_start3A_91, %dma_start3A_92] : memref<4x128x128xf32, #tpu.memory_space<vmem>> -> memref<1x128x128xf32, #tpu.memory_space<vmem>>
      %dma_start3A_94 = tpu.memref_squeeze %dma_start3A_93 : memref<1x128x128xf32, #tpu.memory_space<vmem>> -> memref<128x128xf32, #tpu.memory_space<vmem>>
      %dma_start3A_95 = arith.constant 0 : i32
      %dma_start3A_96 = tpu.memref_slice %arg4[%mul3A_2, %dma_start3A_95] : memref<16384x128xf32, #tpu.memory_space<hbm>> -> memref<128x128xf32, #tpu.memory_space<hbm>>
      %dma_start3A_97 = arith.constant 0 : i32
      %dma_start3A_98 = tpu.memref_slice %arg4[%mul3A_2, %dma_start3A_97] : memref<16384x128xf32, #tpu.memory_space<hbm>> -> memref<128x128xf32, #tpu.memory_space<hbm>>
      %dma_start3A_99 = arith.constant 0 : i32
      %dma_start3A_100 = arith.constant 0 : i32
      %dma_start3A_101 = tpu.memref_slice %arg6[%run_scoped3A, %dma_start3A_99, %dma_start3A_100] : memref<4x128x128xf32, #tpu.memory_space<vmem>> -> memref<1x128x128xf32, #tpu.memory_space<vmem>>
      %dma_start3A_102 = tpu.memref_squeeze %dma_start3A_101 : memref<1x128x128xf32, #tpu.memory_space<vmem>> -> memref<128x128xf32, #tpu.memory_space<vmem>>
      tpu.enqueue_dma source(%dma_start3A_102 : memref<128x128xf32, #tpu.memory_space<vmem>>) target(%dma_start3A_98 : memref<128x128xf32, #tpu.memory_space<hbm>>) target_semaphore(%run_scoped3A_90 : memref<!tpu.dma_semaphore, #tpu.memory_space<semaphore_mem>>)
      %dma_wait3A_103 = arith.constant 0 : i32
      %dma_wait3A_104 = arith.constant 0 : i32
      %dma_wait3A_105 = tpu.memref_slice %arg6[%run_scoped3A, %dma_wait3A_103, %dma_wait3A_104] : memref<4x128x128xf32, #tpu.memory_space<vmem>> -> memref<1x128x128xf32, #tpu.memory_space<vmem>>
      %dma_wait3A_106 = tpu.memref_squeeze %dma_wait3A_105 : memref<1x128x128xf32, #tpu.memory_space<vmem>> -> memref<128x128xf32, #tpu.memory_space<vmem>>
      %dma_wait3A_107 = arith.constant 0 : i32
      %dma_wait3A_108 = tpu.memref_slice %arg4[%mul3A_2, %dma_wait3A_107] : memref<16384x128xf32, #tpu.memory_space<hbm>> -> memref<128x128xf32, #tpu.memory_space<hbm>>
      %dma_wait3A_109 = arith.constant 0 : i32
      %dma_wait3A_110 = tpu.memref_slice %arg4[%mul3A_2, %dma_wait3A_109] : memref<16384x128xf32, #tpu.memory_space<hbm>> -> memref<128x128xf32, #tpu.memory_space<hbm>>
      %dma_wait3A_111 = arith.constant 0 : i32
      %dma_wait3A_112 = arith.constant 0 : i32
      %dma_wait3A_113 = tpu.memref_slice %arg6[%run_scoped3A, %dma_wait3A_111, %dma_wait3A_112] : memref<4x128x128xf32, #tpu.memory_space<vmem>> -> memref<1x128x128xf32, #tpu.memory_space<vmem>>
      %dma_wait3A_114 = tpu.memref_squeeze %dma_wait3A_113 : memref<1x128x128xf32, #tpu.memory_space<vmem>> -> memref<128x128xf32, #tpu.memory_space<vmem>>
      tpu.wait_dma2 semaphore(%run_scoped3A_90 : memref<!tpu.dma_semaphore, #tpu.memory_space<semaphore_mem>>) src(%dma_wait3A_114 : memref<128x128xf32, #tpu.memory_space<vmem>>) dst(%dma_wait3A_110 : memref<128x128xf32, #tpu.memory_space<hbm>>)
      tpu.yield
    }) : () -> ()
    %add3A_81 = arith.constant 128 : i32
    %add3A_82 = arith.addi %mul3A_2, %add3A_81 : i32
    %run_scoped3A_83 = arith.constant 1 : i32
    "tpu.region"() ({
      %run_scoped3A_90 = tpu.sem_alloc : memref<!tpu.dma_semaphore, #tpu.memory_space<semaphore_mem>>
      %dma_start3A_91 = arith.constant 0 : i32
      %dma_start3A_92 = arith.constant 0 : i32
      %dma_start3A_93 = tpu.memref_slice %arg6[%run_scoped3A_83, %dma_start3A_91, %dma_start3A_92] : memref<4x128x128xf32, #tpu.memory_space<vmem>> -> memref<1x128x128xf32, #tpu.memory_space<vmem>>
      %dma_start3A_94 = tpu.memref_squeeze %dma_start3A_93 : memref<1x128x128xf32, #tpu.memory_space<vmem>> -> memref<128x128xf32, #tpu.memory_space<vmem>>
      %dma_start3A_95 = arith.constant 0 : i32
      %dma_start3A_96 = tpu.memref_slice %arg4[%add3A_82, %dma_start3A_95] : memref<16384x128xf32, #tpu.memory_space<hbm>> -> memref<128x128xf32, #tpu.memory_space<hbm>>
      %dma_start3A_97 = arith.constant 0 : i32
      %dma_start3A_98 = tpu.memref_slice %arg4[%add3A_82, %dma_start3A_97] : memref<16384x128xf32, #tpu.memory_space<hbm>> -> memref<128x128xf32, #tpu.memory_space<hbm>>
      %dma_start3A_99 = arith.constant 0 : i32
      %dma_start3A_100 = arith.constant 0 : i32
      %dma_start3A_101 = tpu.memref_slice %arg6[%run_scoped3A_83, %dma_start3A_99, %dma_start3A_100] : memref<4x128x128xf32, #tpu.memory_space<vmem>> -> memref<1x128x128xf32, #tpu.memory_space<vmem>>
      %dma_start3A_102 = tpu.memref_squeeze %dma_start3A_101 : memref<1x128x128xf32, #tpu.memory_space<vmem>> -> memref<128x128xf32, #tpu.memory_space<vmem>>
      tpu.enqueue_dma source(%dma_start3A_102 : memref<128x128xf32, #tpu.memory_space<vmem>>) target(%dma_start3A_98 : memref<128x128xf32, #tpu.memory_space<hbm>>) target_semaphore(%run_scoped3A_90 : memref<!tpu.dma_semaphore, #tpu.memory_space<semaphore_mem>>)
      %dma_wait3A_103 = arith.constant 0 : i32
      %dma_wait3A_104 = arith.constant 0 : i32
      %dma_wait3A_105 = tpu.memref_slice %arg6[%run_scoped3A_83, %dma_wait3A_103, %dma_wait3A_104] : memref<4x128x128xf32, #tpu.memory_space<vmem>> -> memref<1x128x128xf32, #tpu.memory_space<vmem>>
      %dma_wait3A_106 = tpu.memref_squeeze %dma_wait3A_105 : memref<1x128x128xf32, #tpu.memory_space<vmem>> -> memref<128x128xf32, #tpu.memory_space<vmem>>
      %dma_wait3A_107 = arith.constant 0 : i32
      %dma_wait3A_108 = tpu.memref_slice %arg4[%add3A_82, %dma_wait3A_107] : memref<16384x128xf32, #tpu.memory_space<hbm>> -> memref<128x128xf32, #tpu.memory_space<hbm>>
      %dma_wait3A_109 = arith.constant 0 : i32
      %dma_wait3A_110 = tpu.memref_slice %arg4[%add3A_82, %dma_wait3A_109] : memref<16384x128xf32, #tpu.memory_space<hbm>> -> memref<128x128xf32, #tpu.memory_space<hbm>>
      %dma_wait3A_111 = arith.constant 0 : i32
      %dma_wait3A_112 = arith.constant 0 : i32
      %dma_wait3A_113 = tpu.memref_slice %arg6[%run_scoped3A_83, %dma_wait3A_111, %dma_wait3A_112] : memref<4x128x128xf32, #tpu.memory_space<vmem>> -> memref<1x128x128xf32, #tpu.memory_space<vmem>>
      %dma_wait3A_114 = tpu.memref_squeeze %dma_wait3A_113 : memref<1x128x128xf32, #tpu.memory_space<vmem>> -> memref<128x128xf32, #tpu.memory_space<vmem>>
      tpu.wait_dma2 semaphore(%run_scoped3A_90 : memref<!tpu.dma_semaphore, #tpu.memory_space<semaphore_mem>>) src(%dma_wait3A_114 : memref<128x128xf32, #tpu.memory_space<vmem>>) dst(%dma_wait3A_110 : memref<128x128xf32, #tpu.memory_space<hbm>>)
      tpu.yield
    }) : () -> ()
    %add3A_84 = arith.constant 256 : i32
    %add3A_85 = arith.addi %mul3A_2, %add3A_84 : i32
    %run_scoped3A_86 = arith.constant 2 : i32
    "tpu.region"() ({
      %run_scoped3A_90 = tpu.sem_alloc : memref<!tpu.dma_semaphore, #tpu.memory_space<semaphore_mem>>
      %dma_start3A_91 = arith.constant 0 : i32
      %dma_start3A_92 = arith.constant 0 : i32
      %dma_start3A_93 = tpu.memref_slice %arg6[%run_scoped3A_86, %dma_start3A_91, %dma_start3A_92] : memref<4x128x128xf32, #tpu.memory_space<vmem>> -> memref<1x128x128xf32, #tpu.memory_space<vmem>>
      %dma_start3A_94 = tpu.memref_squeeze %dma_start3A_93 : memref<1x128x128xf32, #tpu.memory_space<vmem>> -> memref<128x128xf32, #tpu.memory_space<vmem>>
      %dma_start3A_95 = arith.constant 0 : i32
      %dma_start3A_96 = tpu.memref_slice %arg4[%add3A_85, %dma_start3A_95] : memref<16384x128xf32, #tpu.memory_space<hbm>> -> memref<128x128xf32, #tpu.memory_space<hbm>>
      %dma_start3A_97 = arith.constant 0 : i32
      %dma_start3A_98 = tpu.memref_slice %arg4[%add3A_85, %dma_start3A_97] : memref<16384x128xf32, #tpu.memory_space<hbm>> -> memref<128x128xf32, #tpu.memory_space<hbm>>
      %dma_start3A_99 = arith.constant 0 : i32
      %dma_start3A_100 = arith.constant 0 : i32
      %dma_start3A_101 = tpu.memref_slice %arg6[%run_scoped3A_86, %dma_start3A_99, %dma_start3A_100] : memref<4x128x128xf32, #tpu.memory_space<vmem>> -> memref<1x128x128xf32, #tpu.memory_space<vmem>>
      %dma_start3A_102 = tpu.memref_squeeze %dma_start3A_101 : memref<1x128x128xf32, #tpu.memory_space<vmem>> -> memref<128x128xf32, #tpu.memory_space<vmem>>
      tpu.enqueue_dma source(%dma_start3A_102 : memref<128x128xf32, #tpu.memory_space<vmem>>) target(%dma_start3A_98 : memref<128x128xf32, #tpu.memory_space<hbm>>) target_semaphore(%run_scoped3A_90 : memref<!tpu.dma_semaphore, #tpu.memory_space<semaphore_mem>>)
      %dma_wait3A_103 = arith.constant 0 : i32
      %dma_wait3A_104 = arith.constant 0 : i32
      %dma_wait3A_105 = tpu.memref_slice %arg6[%run_scoped3A_86, %dma_wait3A_103, %dma_wait3A_104] : memref<4x128x128xf32, #tpu.memory_space<vmem>> -> memref<1x128x128xf32, #tpu.memory_space<vmem>>
      %dma_wait3A_106 = tpu.memref_squeeze %dma_wait3A_105 : memref<1x128x128xf32, #tpu.memory_space<vmem>> -> memref<128x128xf32, #tpu.memory_space<vmem>>
      %dma_wait3A_107 = arith.constant 0 : i32
      %dma_wait3A_108 = tpu.memref_slice %arg4[%add3A_85, %dma_wait3A_107] : memref<16384x128xf32, #tpu.memory_space<hbm>> -> memref<128x128xf32, #tpu.memory_space<hbm>>
      %dma_wait3A_109 = arith.constant 0 : i32
      %dma_wait3A_110 = tpu.memref_slice %arg4[%add3A_85, %dma_wait3A_109] : memref<16384x128xf32, #tpu.memory_space<hbm>> -> memref<128x128xf32, #tpu.memory_space<hbm>>
      %dma_wait3A_111 = arith.constant 0 : i32
      %dma_wait3A_112 = arith.constant 0 : i32
      %dma_wait3A_113 = tpu.memref_slice %arg6[%run_scoped3A_86, %dma_wait3A_111, %dma_wait3A_112] : memref<4x128x128xf32, #tpu.memory_space<vmem>> -> memref<1x128x128xf32, #tpu.memory_space<vmem>>
      %dma_wait3A_114 = tpu.memref_squeeze %dma_wait3A_113 : memref<1x128x128xf32, #tpu.memory_space<vmem>> -> memref<128x128xf32, #tpu.memory_space<vmem>>
      tpu.wait_dma2 semaphore(%run_scoped3A_90 : memref<!tpu.dma_semaphore, #tpu.memory_space<semaphore_mem>>) src(%dma_wait3A_114 : memref<128x128xf32, #tpu.memory_space<vmem>>) dst(%dma_wait3A_110 : memref<128x128xf32, #tpu.memory_space<hbm>>)
      tpu.yield
    }) : () -> ()
    %add3A_87 = arith.constant 384 : i32
    %add3A_88 = arith.addi %mul3A_2, %add3A_87 : i32
    %run_scoped3A_89 = arith.constant 3 : i32
    "tpu.region"() ({
      %run_scoped3A_90 = tpu.sem_alloc : memref<!tpu.dma_semaphore, #tpu.memory_space<semaphore_mem>>
      %dma_start3A_91 = arith.constant 0 : i32
      %dma_start3A_92 = arith.constant 0 : i32
      %dma_start3A_93 = tpu.memref_slice %arg6[%run_scoped3A_89, %dma_start3A_91, %dma_start3A_92] : memref<4x128x128xf32, #tpu.memory_space<vmem>> -> memref<1x128x128xf32, #tpu.memory_space<vmem>>
      %dma_start3A_94 = tpu.memref_squeeze %dma_start3A_93 : memref<1x128x128xf32, #tpu.memory_space<vmem>> -> memref<128x128xf32, #tpu.memory_space<vmem>>
      %dma_start3A_95 = arith.constant 0 : i32
      %dma_start3A_96 = tpu.memref_slice %arg4[%add3A_88, %dma_start3A_95] : memref<16384x128xf32, #tpu.memory_space<hbm>> -> memref<128x128xf32, #tpu.memory_space<hbm>>
      %dma_start3A_97 = arith.constant 0 : i32
      %dma_start3A_98 = tpu.memref_slice %arg4[%add3A_88, %dma_start3A_97] : memref<16384x128xf32, #tpu.memory_space<hbm>> -> memref<128x128xf32, #tpu.memory_space<hbm>>
      %dma_start3A_99 = arith.constant 0 : i32
      %dma_start3A_100 = arith.constant 0 : i32
      %dma_start3A_101 = tpu.memref_slice %arg6[%run_scoped3A_89, %dma_start3A_99, %dma_start3A_100] : memref<4x128x128xf32, #tpu.memory_space<vmem>> -> memref<1x128x128xf32, #tpu.memory_space<vmem>>
      %dma_start3A_102 = tpu.memref_squeeze %dma_start3A_101 : memref<1x128x128xf32, #tpu.memory_space<vmem>> -> memref<128x128xf32, #tpu.memory_space<vmem>>
      tpu.enqueue_dma source(%dma_start3A_102 : memref<128x128xf32, #tpu.memory_space<vmem>>) target(%dma_start3A_98 : memref<128x128xf32, #tpu.memory_space<hbm>>) target_semaphore(%run_scoped3A_90 : memref<!tpu.dma_semaphore, #tpu.memory_space<semaphore_mem>>)
      %dma_wait3A_103 = arith.constant 0 : i32
      %dma_wait3A_104 = arith.constant 0 : i32
      %dma_wait3A_105 = tpu.memref_slice %arg6[%run_scoped3A_89, %dma_wait3A_103, %dma_wait3A_104] : memref<4x128x128xf32, #tpu.memory_space<vmem>> -> memref<1x128x128xf32, #tpu.memory_space<vmem>>
      %dma_wait3A_106 = tpu.memref_squeeze %dma_wait3A_105 : memref<1x128x128xf32, #tpu.memory_space<vmem>> -> memref<128x128xf32, #tpu.memory_space<vmem>>
      %dma_wait3A_107 = arith.constant 0 : i32
      %dma_wait3A_108 = tpu.memref_slice %arg4[%add3A_88, %dma_wait3A_107] : memref<16384x128xf32, #tpu.memory_space<hbm>> -> memref<128x128xf32, #tpu.memory_space<hbm>>
      %dma_wait3A_109 = arith.constant 0 : i32
      %dma_wait3A_110 = tpu.memref_slice %arg4[%add3A_88, %dma_wait3A_109] : memref<16384x128xf32, #tpu.memory_space<hbm>> -> memref<128x128xf32, #tpu.memory_space<hbm>>
      %dma_wait3A_111 = arith.constant 0 : i32
      %dma_wait3A_112 = arith.constant 0 : i32
      %dma_wait3A_113 = tpu.memref_slice %arg6[%run_scoped3A_89, %dma_wait3A_111, %dma_wait3A_112] : memref<4x128x128xf32, #tpu.memory_space<vmem>> -> memref<1x128x128xf32, #tpu.memory_space<vmem>>
      %dma_wait3A_114 = tpu.memref_squeeze %dma_wait3A_113 : memref<1x128x128xf32, #tpu.memory_space<vmem>> -> memref<128x128xf32, #tpu.memory_space<vmem>>
      tpu.wait_dma2 semaphore(%run_scoped3A_90 : memref<!tpu.dma_semaphore, #tpu.memory_space<semaphore_mem>>) src(%dma_wait3A_114 : memref<128x128xf32, #tpu.memory_space<vmem>>) dst(%dma_wait3A_110 : memref<128x128xf32, #tpu.memory_space<hbm>>)
      tpu.yield
    }) : () -> ()
    return
  }
}

module attributes {stable_mosaic.version = 14 : i64} {
  func.func @_tc_reduce_body(%arg0: i32, %arg1: memref<4096x128xbf16, #tpu.memory_space<vmem>>, %arg2: memref<4096x128xbf16, #tpu.memory_space<vmem>>, %arg3: memref<4096x128xf32, #tpu.memory_space<vmem>>, %arg4: memref<4096xf32, #tpu.memory_space<vmem>>) attributes {dimension_semantics = [#tpu.dimension_semantics<arbitrary>], iteration_bounds = array<i64: 4>, scalar_prefetch = 0 : i64, scratch_operands = 0 : i64, tpu.core_type = #tpu.core_type<tc>, window_params = [{transform_indices = @transform_0, window_bounds = array<i64: 4096, 128>}, {transform_indices = @transform_1, window_bounds = array<i64: 4096, 128>}, {transform_indices = @transform_2, window_bounds = array<i64: 4096, 128>}, {transform_indices = @transform_3, window_bounds = array<i64: 4096>}]} {
    %get3A = arith.constant 0 : index
    %get3A_0 = arith.constant 0 : index
    %get3A_1 = vector.load %arg3[%get3A, %get3A_0] : memref<4096x128xf32, #tpu.memory_space<vmem>>, vector<4096x128xf32>
    %bitcast_convert_type3A = tpu.bitcast %get3A_1 : vector<4096x128xf32> -> vector<4096x128xi32>
    %shift_left3A = arith.constant 16 : i32
    %shift_left3A_2 = vector.broadcast %shift_left3A : i32 to vector<4096x128xi32>
    %shift_left3A_3 = arith.shli %bitcast_convert_type3A, %shift_left3A_2 : vector<4096x128xi32>
    %bitcast_convert_type3A_4 = tpu.bitcast %shift_left3A_3 : vector<4096x128xi32> -> vector<4096x128xf32>
    %and3A = arith.constant -65536 : i32
    %and3A_5 = vector.broadcast %and3A : i32 to vector<4096x128xi32>
    %and3A_6 = arith.andi %bitcast_convert_type3A, %and3A_5 : vector<4096x128xi32>
    %bitcast_convert_type3A_7 = tpu.bitcast %and3A_6 : vector<4096x128xi32> -> vector<4096x128xf32>
    %get3A_8 = arith.constant 0 : index
    %get3A_9 = arith.constant 0 : index
    %get3A_10 = vector.load %arg1[%get3A_8, %get3A_9] : memref<4096x128xbf16, #tpu.memory_space<vmem>>, vector<4096x128xbf16>
    %convert_element_type3A = arith.extf %get3A_10 : vector<4096x128xbf16> to vector<4096x128xf32>
    %get3A_11 = arith.constant 0 : index
    %get3A_12 = arith.constant 0 : index
    %get3A_13 = vector.load %arg2[%get3A_11, %get3A_12] : memref<4096x128xbf16, #tpu.memory_space<vmem>>, vector<4096x128xbf16>
    %convert_element_type3A_14 = arith.extf %get3A_13 : vector<4096x128xbf16> to vector<4096x128xf32>
    %mul3A = arith.mulf %convert_element_type3A, %bitcast_convert_type3A_4 : vector<4096x128xf32>
    %mul3A_15 = arith.mulf %convert_element_type3A_14, %bitcast_convert_type3A_7 : vector<4096x128xf32>
    %add3A = arith.addf %mul3A, %mul3A_15 : vector<4096x128xf32>
    %reduce_sum3A = arith.constant dense<0.000000e+00> : vector<4096xf32>
    %reduce_sum3A_16 = vector.multi_reduction <add>, %add3A, %reduce_sum3A [1] : vector<4096x128xf32> to vector<4096xf32>
    %swap3A = arith.constant 0 : index
    %swap3A_17 = vector.load %arg4[%swap3A] : memref<4096xf32, #tpu.memory_space<vmem>>, vector<4096xf32>
    tpu.vector_store %arg4[%swap3A], %reduce_sum3A_16 {strides = array<i32>} : memref<4096xf32, #tpu.memory_space<vmem>>, vector<4096xf32>,
    return
  }
  func.func @transform_0(%arg0: i32) -> (i32, i32) {
    %c0_i32 = arith.constant 0 : i32
    %c0_i32_0 = arith.constant 0 : i32
    return %arg0, %c0_i32 : i32, i32
  }
  func.func @transform_1(%arg0: i32) -> (i32, i32) {
    %c0_i32 = arith.constant 0 : i32
    %c0_i32_0 = arith.constant 0 : i32
    return %arg0, %c0_i32 : i32, i32
  }
  func.func @transform_2(%arg0: i32) -> (i32, i32) {
    %c0_i32 = arith.constant 0 : i32
    %c0_i32_0 = arith.constant 0 : i32
    return %arg0, %c0_i32 : i32, i32
  }
  func.func @transform_3(%arg0: i32) -> i32 {
    %c0_i32 = arith.constant 0 : i32
    return %arg0 : i32
  }
}

module attributes {stable_mosaic.version = 14 : i64} {
  func.func @_tc_fuse_body(%arg0: i32, %arg1: memref<64x6400xf32, #tpu.memory_space<vmem>>, %arg2: memref<64x6400xf32, #tpu.memory_space<vmem>>, %arg3: memref<64x6400xf32, #tpu.memory_space<vmem>>, %arg4: memref<64x6400xf32, #tpu.memory_space<vmem>>, %arg5: memref<64x128xf32, #tpu.memory_space<vmem>>, %arg6: memref<64x128xf32, #tpu.memory_space<vmem>>, %arg7: memref<2048x2xf32, #tpu.memory_space<vmem>>, %arg8: memref<6400x128xf32, #tpu.memory_space<vmem>>, %arg9: memref<2048x128xbf16, #tpu.memory_space<vmem>>, %arg10: memref<2048x128xbf16, #tpu.memory_space<vmem>>) attributes {dimension_semantics = [#tpu.dimension_semantics<arbitrary>], iteration_bounds = array<i64: 8>, scalar_prefetch = 0 : i64, scratch_operands = 0 : i64, tpu.core_type = #tpu.core_type<tc>, window_params = [{transform_indices = @transform_0, window_bounds = array<i64: 64, 6400>}, {transform_indices = @transform_1, window_bounds = array<i64: 64, 6400>}, {transform_indices = @transform_2, window_bounds = array<i64: 64, 6400>}, {transform_indices = @transform_3, window_bounds = array<i64: 64, 6400>}, {transform_indices = @transform_4, window_bounds = array<i64: 64, 128>}, {transform_indices = @transform_5, window_bounds = array<i64: 64, 128>}, {transform_indices = @transform_6, window_bounds = array<i64: 2048, 2>}, {transform_indices = @transform_7, window_bounds = array<i64: 6400, 128>}, {transform_indices = @transform_8, window_bounds = array<i64: 2048, 128>}, {transform_indices = @transform_9, window_bounds = array<i64: 2048, 128>}]} {
    %get3A = arith.constant 0 : index
    %get3A_0 = arith.constant 0 : index
    %get3A_1 = vector.load %arg5[%get3A, %get3A_0] : memref<64x128xf32, #tpu.memory_space<vmem>>, vector<64x1xf32>
    %transpose3A = tpu.transpose %get3A_1, [1, 0] : vector<64x1xf32> -> vector<1x64xf32>
    %get3A_2 = arith.constant 0 : index
    %get3A_3 = arith.constant 0 : index
    %get3A_4 = vector.load %arg6[%get3A_2, %get3A_3] : memref<64x128xf32, #tpu.memory_space<vmem>>, vector<64x1xf32>
    %transpose3A_5 = tpu.transpose %get3A_4, [1, 0] : vector<64x1xf32> -> vector<1x64xf32>
    %get3A_6 = arith.constant 0 : index
    %get3A_7 = arith.constant 0 : index
    %get3A_8 = vector.load %arg1[%get3A_6, %get3A_7] : memref<64x6400xf32, #tpu.memory_space<vmem>>, vector<64x6400xf32>
    %transpose3A_9 = tpu.transpose %get3A_8, [1, 0] : vector<64x6400xf32> -> vector<6400x64xf32>
    %add3A = vector.broadcast %transpose3A : vector<1x64xf32> to vector<6400x64xf32>
    %add3A_10 = arith.addf %transpose3A_9, %add3A : vector<6400x64xf32>
    %get3A_11 = arith.constant 0 : index
    %get3A_12 = arith.constant 0 : index
    %get3A_13 = vector.load %arg2[%get3A_11, %get3A_12] : memref<64x6400xf32, #tpu.memory_space<vmem>>, vector<64x6400xf32>
    %transpose3A_14 = tpu.transpose %get3A_13, [1, 0] : vector<64x6400xf32> -> vector<6400x64xf32>
    %add3A_15 = vector.broadcast %transpose3A_5 : vector<1x64xf32> to vector<6400x64xf32>
    %add3A_16 = arith.addf %transpose3A_14, %add3A_15 : vector<6400x64xf32>
    %get3A_17 = arith.constant 0 : index
    %get3A_18 = arith.constant 0 : index
    %get3A_19 = vector.load %arg3[%get3A_17, %get3A_18] : memref<64x6400xf32, #tpu.memory_space<vmem>>, vector<64x6400xf32>
    %transpose3A_20 = tpu.transpose %get3A_19, [1, 0] : vector<64x6400xf32> -> vector<6400x64xf32>
    %add3A_21 = vector.broadcast %transpose3A : vector<1x64xf32> to vector<6400x64xf32>
    %add3A_22 = arith.addf %transpose3A_20, %add3A_21 : vector<6400x64xf32>
    %get3A_23 = arith.constant 0 : index
    %get3A_24 = arith.constant 0 : index
    %get3A_25 = vector.load %arg4[%get3A_23, %get3A_24] : memref<64x6400xf32, #tpu.memory_space<vmem>>, vector<64x6400xf32>
    %transpose3A_26 = tpu.transpose %get3A_25, [1, 0] : vector<64x6400xf32> -> vector<6400x64xf32>
    %add3A_27 = vector.broadcast %transpose3A_5 : vector<1x64xf32> to vector<6400x64xf32>
    %add3A_28 = arith.addf %transpose3A_26, %add3A_27 : vector<6400x64xf32>
    %bitcast_convert_type3A = tpu.bitcast %add3A_16 : vector<6400x64xf32> -> vector<6400x64xi32>
    %shift_right_logical3A = arith.constant 16 : i32
    %shift_right_logical3A_29 = vector.broadcast %shift_right_logical3A : i32 to vector<6400x64xi32>
    %shift_right_logical3A_30 = arith.shrui %bitcast_convert_type3A, %shift_right_logical3A_29 : vector<6400x64xi32>
    %and3A = arith.constant 1 : i32
    %and3A_31 = vector.broadcast %and3A : i32 to vector<6400x64xi32>
    %and3A_32 = arith.andi %shift_right_logical3A_30, %and3A_31 : vector<6400x64xi32>
    %add3A_33 = arith.constant 32767 : i32
    %add3A_34 = vector.broadcast %add3A_33 : i32 to vector<6400x64xi32>
    %add3A_35 = arith.addi %bitcast_convert_type3A, %add3A_34 : vector<6400x64xi32>
    %add3A_36 = arith.addi %add3A_35, %and3A_32 : vector<6400x64xi32>
    %shift_right_logical3A_37 = arith.constant 16 : i32
    %shift_right_logical3A_38 = vector.broadcast %shift_right_logical3A_37 : i32 to vector<6400x64xi32>
    %shift_right_logical3A_39 = arith.shrui %add3A_36, %shift_right_logical3A_38 : vector<6400x64xi32>
    %and3A_40 = arith.constant 65535 : i32
    %and3A_41 = vector.broadcast %and3A_40 : i32 to vector<6400x64xi32>
    %and3A_42 = arith.andi %shift_right_logical3A_39, %and3A_41 : vector<6400x64xi32>
    %shift_left3A = arith.constant 16 : i32
    %shift_left3A_43 = vector.broadcast %shift_left3A : i32 to vector<6400x64xi32>
    %shift_left3A_44 = arith.shli %and3A_42, %shift_left3A_43 : vector<6400x64xi32>
    %bitcast_convert_type3A_45 = tpu.bitcast %add3A_10 : vector<6400x64xf32> -> vector<6400x64xi32>
    %shift_right_logical3A_46 = arith.constant 16 : i32
    %shift_right_logical3A_47 = vector.broadcast %shift_right_logical3A_46 : i32 to vector<6400x64xi32>
    %shift_right_logical3A_48 = arith.shrui %bitcast_convert_type3A_45, %shift_right_logical3A_47 : vector<6400x64xi32>
    %and3A_49 = arith.constant 1 : i32
    %and3A_50 = vector.broadcast %and3A_49 : i32 to vector<6400x64xi32>
    %and3A_51 = arith.andi %shift_right_logical3A_48, %and3A_50 : vector<6400x64xi32>
    %add3A_52 = arith.constant 32767 : i32
    %add3A_53 = vector.broadcast %add3A_52 : i32 to vector<6400x64xi32>
    %add3A_54 = arith.addi %bitcast_convert_type3A_45, %add3A_53 : vector<6400x64xi32>
    %add3A_55 = arith.addi %add3A_54, %and3A_51 : vector<6400x64xi32>
    %shift_right_logical3A_56 = arith.constant 16 : i32
    %shift_right_logical3A_57 = vector.broadcast %shift_right_logical3A_56 : i32 to vector<6400x64xi32>
    %shift_right_logical3A_58 = arith.shrui %add3A_55, %shift_right_logical3A_57 : vector<6400x64xi32>
    %and3A_59 = arith.constant 65535 : i32
    %and3A_60 = vector.broadcast %and3A_59 : i32 to vector<6400x64xi32>
    %and3A_61 = arith.andi %shift_right_logical3A_58, %and3A_60 : vector<6400x64xi32>
    %or3A = arith.ori %shift_left3A_44, %and3A_61 : vector<6400x64xi32>
    %bitcast_convert_type3A_62 = tpu.bitcast %add3A_28 : vector<6400x64xf32> -> vector<6400x64xi32>
    %shift_right_logical3A_63 = arith.constant 16 : i32
    %shift_right_logical3A_64 = vector.broadcast %shift_right_logical3A_63 : i32 to vector<6400x64xi32>
    %shift_right_logical3A_65 = arith.shrui %bitcast_convert_type3A_62, %shift_right_logical3A_64 : vector<6400x64xi32>
    %and3A_66 = arith.constant 1 : i32
    %and3A_67 = vector.broadcast %and3A_66 : i32 to vector<6400x64xi32>
    %and3A_68 = arith.andi %shift_right_logical3A_65, %and3A_67 : vector<6400x64xi32>
    %add3A_69 = arith.constant 32767 : i32
    %add3A_70 = vector.broadcast %add3A_69 : i32 to vector<6400x64xi32>
    %add3A_71 = arith.addi %bitcast_convert_type3A_62, %add3A_70 : vector<6400x64xi32>
    %add3A_72 = arith.addi %add3A_71, %and3A_68 : vector<6400x64xi32>
    %shift_right_logical3A_73 = arith.constant 16 : i32
    %shift_right_logical3A_74 = vector.broadcast %shift_right_logical3A_73 : i32 to vector<6400x64xi32>
    %shift_right_logical3A_75 = arith.shrui %add3A_72, %shift_right_logical3A_74 : vector<6400x64xi32>
    %and3A_76 = arith.constant 65535 : i32
    %and3A_77 = vector.broadcast %and3A_76 : i32 to vector<6400x64xi32>
    %and3A_78 = arith.andi %shift_right_logical3A_75, %and3A_77 : vector<6400x64xi32>
    %shift_left3A_79 = arith.constant 16 : i32
    %shift_left3A_80 = vector.broadcast %shift_left3A_79 : i32 to vector<6400x64xi32>
    %shift_left3A_81 = arith.shli %and3A_78, %shift_left3A_80 : vector<6400x64xi32>
    %bitcast_convert_type3A_82 = tpu.bitcast %add3A_22 : vector<6400x64xf32> -> vector<6400x64xi32>
    %shift_right_logical3A_83 = arith.constant 16 : i32
    %shift_right_logical3A_84 = vector.broadcast %shift_right_logical3A_83 : i32 to vector<6400x64xi32>
    %shift_right_logical3A_85 = arith.shrui %bitcast_convert_type3A_82, %shift_right_logical3A_84 : vector<6400x64xi32>
    %and3A_86 = arith.constant 1 : i32
    %and3A_87 = vector.broadcast %and3A_86 : i32 to vector<6400x64xi32>
    %and3A_88 = arith.andi %shift_right_logical3A_85, %and3A_87 : vector<6400x64xi32>
    %add3A_89 = arith.constant 32767 : i32
    %add3A_90 = vector.broadcast %add3A_89 : i32 to vector<6400x64xi32>
    %add3A_91 = arith.addi %bitcast_convert_type3A_82, %add3A_90 : vector<6400x64xi32>
    %add3A_92 = arith.addi %add3A_91, %and3A_88 : vector<6400x64xi32>
    %shift_right_logical3A_93 = arith.constant 16 : i32
    %shift_right_logical3A_94 = vector.broadcast %shift_right_logical3A_93 : i32 to vector<6400x64xi32>
    %shift_right_logical3A_95 = arith.shrui %add3A_92, %shift_right_logical3A_94 : vector<6400x64xi32>
    %and3A_96 = arith.constant 65535 : i32
    %and3A_97 = vector.broadcast %and3A_96 : i32 to vector<6400x64xi32>
    %and3A_98 = arith.andi %shift_right_logical3A_95, %and3A_97 : vector<6400x64xi32>
    %or3A_99 = arith.ori %shift_left3A_81, %and3A_98 : vector<6400x64xi32>
    %concatenate3A = tpu.concatenate %or3A, %or3A_99 in 1 : vector<6400x64xi32>, vector<6400x64xi32> -> vector<6400x128xi32>
    %bitcast_convert_type3A_100 = tpu.bitcast %concatenate3A : vector<6400x128xi32> -> vector<6400x128xf32>
    %swap3A = arith.constant 0 : index
    %swap3A_101 = arith.constant 0 : index
    %swap3A_102 = vector.load %arg8[%swap3A, %swap3A_101] : memref<6400x128xf32, #tpu.memory_space<vmem>>, vector<6400x128xf32>
    tpu.vector_store %arg8[%swap3A, %swap3A_101], %bitcast_convert_type3A_100 {strides = array<i32>} : memref<6400x128xf32, #tpu.memory_space<vmem>>, vector<6400x128xf32>,
    %get3A_103 = arith.constant 0 : index
    %get3A_104 = arith.constant 0 : index
    %get3A_105 = vector.load %arg7[%get3A_103, %get3A_104] : memref<2048x2xf32, #tpu.memory_space<vmem>>, vector<2048x1xf32>
    %get3A_106 = arith.constant 0 : index
    %get3A_107 = arith.constant 1 : index
    %get3A_108 = vector.load %arg7[%get3A_106, %get3A_107] : memref<2048x2xf32, #tpu.memory_space<vmem>>, vector<2048x1xf32>
    %iota3A = tpu.iota {dimensions = array<i32: 1>} : vector<2048x128xi32>
    %jit3A = arith.constant 64 : i32
    %eq3A = arith.constant 0 : i32
    %eq3A_109 = arith.cmpi eq, %jit3A, %eq3A : i32
    %jit3A_110 = arith.constant 1 : i32
    %select_n3A = arith.select %eq3A_109, %jit3A_110, %jit3A : i32
    %rem3A = vector.broadcast %select_n3A : i32 to vector<2048x128xi32>
    %rem3A_111 = arith.remsi %iota3A, %rem3A : vector<2048x128xi32>
    %ne3A = arith.constant 0 : i32
    %ne3A_112 = vector.broadcast %ne3A : i32 to vector<2048x128xi32>
    %ne3A_113 = arith.cmpi ne, %rem3A_111, %ne3A_112 : vector<2048x128xi32>
    %lt3A = arith.constant 0 : i32
    %lt3A_114 = vector.broadcast %lt3A : i32 to vector<2048x128xi32>
    %lt3A_115 = arith.cmpi slt, %rem3A_111, %lt3A_114 : vector<2048x128xi32>
    %lt3A_116 = arith.constant 0 : i32
    %lt3A_117 = arith.cmpi slt, %select_n3A, %lt3A_116 : i32
    %ne3A_118 = vector.broadcast %lt3A_117 : i1 to vector<2048x128xi1>
    %ne3A_119 = vector.broadcast %ne3A_118 : vector<2048x128xi1> to vector<2048x128xi1>
    %ne3A_120 = arith.xori %lt3A_115, %ne3A_119 : vector<2048x128xi1>
    %and3A_121 = arith.andi %ne3A_120, %ne3A_113 : vector<2048x128xi1>
    %add3A_122 = vector.broadcast %select_n3A : i32 to vector<2048x128xi32>
    %add3A_123 = arith.addi %rem3A_111, %add3A_122 : vector<2048x128xi32>
    %select_n3A_124 = arith.select %and3A_121, %add3A_123, %rem3A_111 : vector<2048x128xi1>, vector<2048x128xi32>
    %add3A_125 = arith.constant 1 : i32
    %add3A_126 = vector.broadcast %add3A_125 : i32 to vector<2048x128xi32>
    %add3A_127 = arith.addi %select_n3A_124, %add3A_126 : vector<2048x128xi32>
    %convert_element_type3A = arith.sitofp %add3A_127 : vector<2048x128xi32> to vector<2048x128xf32>
    %mul3A = arith.constant 3.652500e+02 : f32
    %mul3A_128 = vector.broadcast %mul3A : f32 to vector<2048x1xf32>
    %mul3A_129 = arith.mulf %mul3A_128, %get3A_105 : vector<2048x1xf32>
    %mul3A_130 = arith.constant 6.28318548 : f32
    %mul3A_131 = vector.broadcast %mul3A_130 : f32 to vector<2048x1xf32>
    %mul3A_132 = arith.mulf %mul3A_131, %mul3A_129 : vector<2048x1xf32>
    %div3A = vector.broadcast %mul3A_132 : vector<2048x1xf32> to vector<2048x128xf32>
    %div3A_133 = arith.divf %div3A, %convert_element_type3A : vector<2048x128xf32>
    %mul3A_134 = arith.constant 0.159154937 : f32
    %mul3A_135 = vector.broadcast %mul3A_134 : f32 to vector<2048x128xf32>
    %mul3A_136 = arith.mulf %div3A_133, %mul3A_135 : vector<2048x128xf32>
    %add3A_137 = arith.constant 5.000000e-01 : f32
    %add3A_138 = vector.broadcast %add3A_137 : f32 to vector<2048x128xf32>
    %add3A_139 = arith.addf %mul3A_136, %add3A_138 : vector<2048x128xf32>
    %floor3A = math.floor %add3A_139 : vector<2048x128xf32>
    %mul3A_140 = arith.constant 6.250000e+00 : f32
    %mul3A_141 = vector.broadcast %mul3A_140 : f32 to vector<2048x128xf32>
    %mul3A_142 = arith.mulf %floor3A, %mul3A_141 : vector<2048x128xf32>
    %sub3A = arith.subf %div3A_133, %mul3A_142 : vector<2048x128xf32>
    %mul3A_143 = arith.constant 0.0331853069 : f32
    %mul3A_144 = vector.broadcast %mul3A_143 : f32 to vector<2048x128xf32>
    %mul3A_145 = arith.mulf %floor3A, %mul3A_144 : vector<2048x128xf32>
    %sub3A_146 = arith.subf %sub3A, %mul3A_145 : vector<2048x128xf32>
    %mul3A_147 = arith.mulf %sub3A_146, %sub3A_146 : vector<2048x128xf32>
    %broadcast_in_dim3A = arith.constant 1.72659353E-9 : f32
    %broadcast_in_dim3A_148 = vector.broadcast %broadcast_in_dim3A : f32 to vector<2048x128xf32>
    %mul3A_149 = arith.mulf %broadcast_in_dim3A_148, %mul3A_147 : vector<2048x128xf32>
    %add3A_150 = arith.constant -2.70860511E-7 : f32
    %add3A_151 = vector.broadcast %add3A_150 : f32 to vector<2048x128xf32>
    %add3A_152 = arith.addf %mul3A_149, %add3A_151 : vector<2048x128xf32>
    %mul3A_153 = arith.mulf %add3A_152, %mul3A_147 : vector<2048x128xf32>
    %add3A_154 = arith.constant 2.4770743E-5 : f32
    %add3A_155 = vector.broadcast %add3A_154 : f32 to vector<2048x128xf32>
    %add3A_156 = arith.addf %mul3A_153, %add3A_155 : vector<2048x128xf32>
    %mul3A_157 = arith.mulf %add3A_156, %mul3A_147 : vector<2048x128xf32>
    %add3A_158 = arith.constant -0.00138878508 : f32
    %add3A_159 = vector.broadcast %add3A_158 : f32 to vector<2048x128xf32>
    %add3A_160 = arith.addf %mul3A_157, %add3A_159 : vector<2048x128xf32>
    %mul3A_161 = arith.mulf %add3A_160, %mul3A_147 : vector<2048x128xf32>
    %add3A_162 = arith.constant 4.166650e-02 : f32
    %add3A_163 = vector.broadcast %add3A_162 : f32 to vector<2048x128xf32>
    %add3A_164 = arith.addf %mul3A_161, %add3A_163 : vector<2048x128xf32>
    %mul3A_165 = arith.mulf %add3A_164, %mul3A_147 : vector<2048x128xf32>
    %add3A_166 = arith.constant -0.499999911 : f32
    %add3A_167 = vector.broadcast %add3A_166 : f32 to vector<2048x128xf32>
    %add3A_168 = arith.addf %mul3A_165, %add3A_167 : vector<2048x128xf32>
    %mul3A_169 = arith.mulf %add3A_168, %mul3A_147 : vector<2048x128xf32>
    %add3A_170 = arith.constant 1.000000e+00 : f32
    %add3A_171 = vector.broadcast %add3A_170 : f32 to vector<2048x128xf32>
    %add3A_172 = arith.addf %mul3A_169, %add3A_171 : vector<2048x128xf32>
    %broadcast_in_dim3A_173 = arith.constant 1.36272257E-10 : f32
    %broadcast_in_dim3A_174 = vector.broadcast %broadcast_in_dim3A_173 : f32 to vector<2048x128xf32>
    %mul3A_175 = arith.mulf %broadcast_in_dim3A_174, %mul3A_147 : vector<2048x128xf32>
    %add3A_176 = arith.constant -2.47335734E-8 : f32
    %add3A_177 = vector.broadcast %add3A_176 : f32 to vector<2048x128xf32>
    %add3A_178 = arith.addf %mul3A_175, %add3A_177 : vector<2048x128xf32>
    %mul3A_179 = arith.mulf %add3A_178, %mul3A_147 : vector<2048x128xf32>
    %add3A_180 = arith.constant 2.75364346E-6 : f32
    %add3A_181 = vector.broadcast %add3A_180 : f32 to vector<2048x128xf32>
    %add3A_182 = arith.addf %mul3A_179, %add3A_181 : vector<2048x128xf32>
    %mul3A_183 = arith.mulf %add3A_182, %mul3A_147 : vector<2048x128xf32>
    %add3A_184 = arith.constant -1.98405658E-4 : f32
    %add3A_185 = vector.broadcast %add3A_184 : f32 to vector<2048x128xf32>
    %add3A_186 = arith.addf %mul3A_183, %add3A_185 : vector<2048x128xf32>
    %mul3A_187 = arith.mulf %add3A_186, %mul3A_147 : vector<2048x128xf32>
    %add3A_188 = arith.constant 0.00833332166 : f32
    %add3A_189 = vector.broadcast %add3A_188 : f32 to vector<2048x128xf32>
    %add3A_190 = arith.addf %mul3A_187, %add3A_189 : vector<2048x128xf32>
    %mul3A_191 = arith.mulf %add3A_190, %mul3A_147 : vector<2048x128xf32>
    %add3A_192 = arith.constant -0.166666657 : f32
    %add3A_193 = vector.broadcast %add3A_192 : f32 to vector<2048x128xf32>
    %add3A_194 = arith.addf %mul3A_191, %add3A_193 : vector<2048x128xf32>
    %mul3A_195 = arith.mulf %add3A_194, %mul3A_147 : vector<2048x128xf32>
    %add3A_196 = arith.constant 1.000000e+00 : f32
    %add3A_197 = vector.broadcast %add3A_196 : f32 to vector<2048x128xf32>
    %add3A_198 = arith.addf %mul3A_195, %add3A_197 : vector<2048x128xf32>
    %mul3A_199 = arith.mulf %sub3A_146, %add3A_198 : vector<2048x128xf32>
    %ge3A = arith.constant 64 : i32
    %ge3A_200 = vector.broadcast %ge3A : i32 to vector<2048x128xi32>
    %ge3A_201 = arith.cmpi sge, %iota3A, %ge3A_200 : vector<2048x128xi32>
    %convert_element_type3A_202 = arith.extui %ge3A_201 : vector<2048x128xi1> to vector<2048x128xi32>
    %convert_element_type3A_203 = arith.sitofp %convert_element_type3A_202 : vector<2048x128xi32> to vector<2048x128xf32>
    %sub3A_204 = vector.broadcast %get3A_108 : vector<2048x1xf32> to vector<2048x128xf32>
    %sub3A_205 = arith.subf %convert_element_type3A_203, %sub3A_204 : vector<2048x128xf32>
    %abs3A = math.absf %sub3A_205 : vector<2048x128xf32>
    %sub3A_206 = arith.constant 1.000000e+00 : f32
    %sub3A_207 = vector.broadcast %sub3A_206 : f32 to vector<2048x128xf32>
    %sub3A_208 = arith.subf %sub3A_207, %abs3A : vector<2048x128xf32>
    %mul3A_209 = arith.mulf %add3A_172, %sub3A_208 : vector<2048x128xf32>
    %convert_element_type3A_210 = arith.truncf %mul3A_209 : vector<2048x128xf32> to vector<2048x128xbf16>
    %swap3A_211 = arith.constant 0 : index
    %swap3A_212 = arith.constant 0 : index
    %swap3A_213 = vector.load %arg9[%swap3A_211, %swap3A_212] : memref<2048x128xbf16, #tpu.memory_space<vmem>>, vector<2048x128xbf16>
    tpu.vector_store %arg9[%swap3A_211, %swap3A_212], %convert_element_type3A_210 {strides = array<i32>} : memref<2048x128xbf16, #tpu.memory_space<vmem>>, vector<2048x128xbf16>,
    %mul3A_214 = arith.mulf %mul3A_199, %sub3A_208 : vector<2048x128xf32>
    %convert_element_type3A_215 = arith.truncf %mul3A_214 : vector<2048x128xf32> to vector<2048x128xbf16>
    %swap3A_216 = arith.constant 0 : index
    %swap3A_217 = arith.constant 0 : index
    %swap3A_218 = vector.load %arg10[%swap3A_216, %swap3A_217] : memref<2048x128xbf16, #tpu.memory_space<vmem>>, vector<2048x128xbf16>
    tpu.vector_store %arg10[%swap3A_216, %swap3A_217], %convert_element_type3A_215 {strides = array<i32>} : memref<2048x128xbf16, #tpu.memory_space<vmem>>, vector<2048x128xbf16>,
    return
  }
  func.func @transform_0(%arg0: i32) -> (i32, i32) {
    %c0_i32 = arith.constant 0 : i32
    %c0_i32_0 = arith.constant 0 : i32
    return %c0_i32, %arg0 : i32, i32
  }
  func.func @transform_1(%arg0: i32) -> (i32, i32) {
    %c0_i32 = arith.constant 0 : i32
    %c0_i32_0 = arith.constant 0 : i32
    return %c0_i32, %arg0 : i32, i32
  }
  func.func @transform_2(%arg0: i32) -> (i32, i32) {
    %add3A = arith.constant 8 : i32
    %add3A_0 = arith.addi %arg0, %add3A : i32
    %c0_i32 = arith.constant 0 : i32
    %c0_i32_1 = arith.constant 0 : i32
    return %c0_i32, %add3A_0 : i32, i32
  }
  func.func @transform_3(%arg0: i32) -> (i32, i32) {
    %add3A = arith.constant 8 : i32
    %add3A_0 = arith.addi %arg0, %add3A : i32
    %c0_i32 = arith.constant 0 : i32
    %c0_i32_1 = arith.constant 0 : i32
    return %c0_i32, %add3A_0 : i32, i32
  }
  func.func @transform_4(%arg0: i32) -> (i32, i32) {
    %c0_i32 = arith.constant 0 : i32
    %c0_i32_0 = arith.constant 0 : i32
    %c0_i32_1 = arith.constant 0 : i32
    return %c0_i32, %c0_i32_0 : i32, i32
  }
  func.func @transform_5(%arg0: i32) -> (i32, i32) {
    %c0_i32 = arith.constant 0 : i32
    %c0_i32_0 = arith.constant 0 : i32
    %c0_i32_1 = arith.constant 0 : i32
    return %c0_i32, %c0_i32_0 : i32, i32
  }
  func.func @transform_6(%arg0: i32) -> (i32, i32) {
    %c0_i32 = arith.constant 0 : i32
    %c0_i32_0 = arith.constant 0 : i32
    return %arg0, %c0_i32 : i32, i32
  }
  func.func @transform_7(%arg0: i32) -> (i32, i32) {
    %c0_i32 = arith.constant 0 : i32
    %c0_i32_0 = arith.constant 0 : i32
    return %arg0, %c0_i32 : i32, i32
  }
  func.func @transform_8(%arg0: i32) -> (i32, i32) {
    %c0_i32 = arith.constant 0 : i32
    %c0_i32_0 = arith.constant 0 : i32
    return %arg0, %c0_i32 : i32, i32
  }
  func.func @transform_9(%arg0: i32) -> (i32, i32) {
    %c0_i32 = arith.constant 0 : i32
    %c0_i32_0 = arith.constant 0 : i32
    return %arg0, %c0_i32 : i32, i32
  }
}

</mosaic_0001>

<sc_bundles>
// kernel: kernel.5.cloned.1.call-start
scs
__scs_entry_jumppad:
0x0: {  	(pc) =	sbr.rel $0x88, $3  }
0x1: {  	(tag) =	ssettag $0x0;
	lr =	simm.s32 $0x1  }
0x2: {  	[smem:$0x3F9D] =	sst lr;
	_ =	strace $0xD0000000  }
0x3: {  	_ = 	snop  }
0x4: {  	_ = 	snop  }
0x5: {  	_ = 	snop  }
0x6: {  	_ = 	snop  }
0x7: {  	_ = 	snop  }
__scs_overlays_trampoline_lowered:
0x8: {  	[smem:$0x3FAC] =	sst s0  }
0x9: {  	[smem:$0x3FAD] =	sst s1  }
0xa: {  	[smem:$0x3FAE] =	sst s2  }
0xb: {  	[smem:$0x3FAF] =	sst s3  }
0xc: {  	[smem:$0x3FB0] =	sst s4  }
0xd: {  	[smem:$0x3FB1] =	sst s5  }
0xe: {  	[smem:$0x3FB2] =	sst s6  }
0xf: {  	[smem:$0x3FB3] =	sst s7  }
0x10: {  	[smem:$0x3FB4] =	sst s8  }
0x11: {  	[smem:$0x3FB5] =	sst s9;
	s0 =	simm.s32 @!p0 $0x0  }
0x12: {  	s1 =	sld [smem:$0x3F9B];
	s0 =	simm.s32 @p0 $0x1  }
0x13: {  	[smem:$0x3FB6] =	sst s0;
	s0 =	simm.s32 @!p1 $0x0  }
0x14: {  	s2 =	sld [smem:$0x3F9A];
	s0 =	simm.s32 @p1 $0x1  }
0x15: {  	[smem:$0x3FB7] =	sst s0;
	s0 =	simm.s32 @!p2 $0x0  }
0x16: {  	s3 =	sld [smem:$0x3FDB];
	s0 =	simm.s32 @p2 $0x1  }
0x17: {  	s4 =	simm.s32 $0x1BF5;
	[smem:$0x3FB9] =	sst s0  }
0x18: {  	s0 =	sld [smem:$0x3F9C];
	_ =	swait.ge [sflag:s4], $0x0  }
0x19: {  	s7 =	sld [smem:$0x3F9D]  }
0x1a: {  	s8 =	sadd.s32 $0xFFFFE003, lr  }
0x1b: {  	s9 =	sadd.s32 $0xFFFFFEF7, lr;
	s5 =	simm.s32 $0xFFFFFFFF;
	p2 =	slt.u32 s8, $0xFFFFF086  }
0x1c: {  	p1 =	slt.u32 s9, $0xF7A;
	s5 =	simm.s32 @!p2 $0x0  }
0x1d: {  	s5 =	simm.s32 @p1 $0x1;
	p0 =	seq.s32 s7, s2  }
0x1e: {  	s7 =	smul.u32 @!p0 $0xF7A, s2;
	p2 =	seq.s32 @!p0 s5, $0x0  }
0x1f: {  	s9 =	smul.u32 $0xF7A, s1;
	s8 =	simm.s32 @!p0 $0x1BF5;
	p2 =	por !p2, p0  }
0x20: {  	[sflag:s8] =	ssyncset.s32 @!p0 $0xFFFFF086;
	s6 =	sadd.s32 @!p0 s3, s7;
	s7 =	simm.s32 @!p0 $0x108  }
0x21: {  	s3 =	sadd.s32 s3, s9;
	s6 =	sadd.s32 @!p0 $0x88, s6;
	s7 =	simm.s32 @p2 $0x1082  }
0x22: {  	[simem:s7], [sflag:s8] =	dma.local @!p0 [hbm:s6], $0xF7A  }
0x23: {  	s9 =	sor.u32 $0xD0000000, s2;
	s6 =	simm.s32 $0x108;
	_ =	swait.ge @!p0 [sflag:s8], $0x0  }
0x24: {  	s3 =	sadd.s32 $0x88, s3;
	s6 =	simm.s32 @!p1 $0x1082;
	[sflag:s4] =	ssyncset.s32 $0xFFFFF086  }
0x25: {  	[simem:s6], [sflag:s4] =	dma.local [hbm:s3], $0xF7A  }
0x26: {  	[smem:$0x3F9D] =	sst s1;
	(tag) =	ssettag s2;
	_ =	strace s9  }
0x27: {  	s1 =	sld [smem:$0x3FAD]  }
0x28: {  	s2 =	sld [smem:$0x3FAE]  }
0x29: {  	s4 =	sld [smem:$0x3FB0]  }
0x2a: {  	p0 =	seq.s32 s5, $0x0;
	s5 =	sld [smem:$0x3FB1]  }
0x2b: {  	s6 =	sld [smem:$0x3FB2]  }
0x2c: {  	s7 =	sld [smem:$0x3FB3]  }
0x2d: {  	s3 =	simm.s32 $0x108;
	s8 =	sld [smem:$0x3FB4]  }
0x2e: {  	s3 =	simm.s32 @!p0 $0x1082;
	s9 =	sld [smem:$0x3FB5]  }
0x2f: {  	lr =	sadd.s32 s0, s3;
	s0 =	sld [smem:$0x3FAC]  }
0x30: {  	s3 =	sld [smem:$0x3FAF]  }
0x31: {  	[smem:$0x3FB8] =	sst s10  }
0x32: {  	s10 =	sld [smem:$0x3FB6];
	_ =	sdelay $0x3  }
0x33: {  	p0 =	seq.s32 s10, $0x1;
	s10 =	sld [smem:$0x3FB8];
	_ =	sdelay $0x3  }
0x34: {  	[smem:$0x3FB8] =	sst s10  }
0x35: {  	s10 =	sld [smem:$0x3FB7];
	_ =	sdelay $0x3  }
0x36: {  	p1 =	seq.s32 s10, $0x1;
	s10 =	sld [smem:$0x3FB8];
	_ =	sdelay $0x3  }
0x37: {  	[smem:$0x3FB8] =	sst s10  }
0x38: {  	s10 =	sld [smem:$0x3FB9]  }
0x39: {  	_ = 	snop;
	(pc) =	sbr.ind lr, $3  }
0x3a: {  	_ = 	snop  }
0x3b: {  	_ = 	snop  }
0x3c: {  	p2 =	seq.s32 s10, $0x1;
	s10 =	sld [smem:$0x3FB8]  }
0x3d: {  	_ =	shalt  }
0x3e: {  	_ =	shalt  }
0x3f: {  	_ =	shalt  }
0x40: {  	_ =	shalt  }
0x41: {  	_ =	shalt  }
0x42: {  	_ =	shalt  }
0x43: {  	_ =	shalt  }
0x44: {  	_ =	shalt  }
0x45: {  	_ =	shalt  }
0x46: {  	_ =	shalt  }
0x47: {  	_ =	shalt  }
0x48: {  	_ =	shalt  }
0x49: {  	_ =	shalt  }
0x4a: {  	_ =	shalt  }
0x4b: {  	_ =	shalt  }
0x4c: {  	_ =	shalt  }
0x4d: {  	_ =	shalt  }
0x4e: {  	_ =	shalt  }
0x4f: {  	_ =	shalt  }
0x50: {  	_ =	shalt  }
0x51: {  	_ =	shalt  }
0x52: {  	_ =	shalt  }
0x53: {  	_ =	shalt  }
0x54: {  	_ =	shalt  }
0x55: {  	_ =	shalt  }
0x56: {  	_ =	shalt  }
0x57: {  	_ =	shalt  }
0x58: {  	_ =	shalt  }
0x59: {  	_ =	shalt  }
0x5a: {  	_ =	shalt  }
0x5b: {  	_ =	shalt  }
0x5c: {  	_ =	shalt  }
0x5d: {  	_ =	shalt  }
0x5e: {  	_ =	shalt  }
0x5f: {  	_ =	shalt  }
0x60: {  	_ =	shalt  }
0x61: {  	_ =	shalt  }
0x62: {  	_ =	shalt  }
0x63: {  	_ =	shalt  }
0x64: {  	_ =	shalt  }
0x65: {  	_ =	shalt  }
0x66: {  	_ =	shalt  }
0x67: {  	_ =	shalt  }
0x68: {  	_ =	shalt  }
0x69: {  	_ =	shalt  }
0x6a: {  	_ =	shalt  }
0x6b: {  	_ =	shalt  }
0x6c: {  	_ =	shalt  }
0x6d: {  	_ =	shalt  }
0x6e: {  	_ =	shalt  }
0x6f: {  	_ =	shalt  }
0x70: {  	_ =	shalt  }
0x71: {  	_ =	shalt  }
0x72: {  	_ =	shalt  }
0x73: {  	_ =	shalt  }
0x74: {  	_ =	shalt  }
0x75: {  	_ =	shalt  }
0x76: {  	_ =	shalt  }
0x77: {  	_ =	shalt  }
0x78: {  	_ =	shalt  }
0x79: {  	_ =	shalt  }
0x7a: {  	_ =	shalt  }
0x7b: {  	_ =	shalt  }
0x7c: {  	_ =	shalt  }
0x7d: {  	_ =	shalt  }
0x7e: {  	_ =	shalt  }
0x7f: {  	_ =	shalt  }
0x80: {  	_ =	shalt  }
0x81: {  	_ =	shalt  }
0x82: {  	_ =	shalt  }
0x83: {  	_ =	shalt  }
0x84: {  	_ =	shalt  }
0x85: {  	_ =	shalt  }
0x86: {  	_ =	shalt  }
0x87: {  	_ =	shalt  }
.Lfunc_end0:
.L_simem_size_0:
called_computation_lowered:
.L_overlay_start_0:
0x88: {  	s2 =	sld [smem:$0x3FD9]  }
0x89: {  	s3 =	sld [smem:$0x3FFE];
	_ =	sdelay $0x1  }
0x8a: {  	s1 =	srdreg.scid  }
0x8b: {  	s0 =	sand.u32 $0x1, s1  }
0x8c: {  	s17 =	sshll.u32 s0, $0xA;
	s2 =	sadd.s32 s3, s2  }
0x8d: {  	s2 =	sadd.s32 s2, s17  }
0x8e: {  	[smem:$0x3FC4] =	sst s2  }
0x8f: {  	_ = 	snop  }
0x90: {  	s2 =	sld [smem:$0x3FD0];
	(tm) =	ssettm $0x1  }
0x91: {  	s18 =	sld [smem:$0x3FFB];
	_ =	sdelay $0x3  }
0x92: {  	_ =	strace s18  }
0x93: {  	s3 =	sld [smem:$0x3FFC];
	_ =	sdelay $0x3  }
0x94: {  	_ =	strace s3  }
0x95: {  	s3 =	sld [smem:$0x3FFD];
	_ =	sdelay $0x3  }
0x96: {  	_ =	strace s3  }
0x97: {  	_ =	strace $0x8FFFFFFF  }
0x98: {  	s19 =	sld [smem:$0x3FDB];
	_ =	sdelay $0x1  }
0x99: {  	s4 =	simm.s32 $_scs_section_size  }
0x9a: {  	s5 =	simm.s32 $_size__tile_overlayer_lowered;
	s6 =	simm.s32 $_tile_overlayer_lowered  }
0x9b: {  	s22 =	simm.s32 $0x1BFF;
	s21 =	sshll.u32 s6, $0x1;
	s3 =	sadd.s32 s4, s19  }
0x9c: {  	s7 =	simm.s32 $0x0;
	s20 =	sshll.u32 s5, $0x1;
	s5 =	sadd.s32 s21, s3  }
0x9d: {  	[timem:s7], [sflag:s22] =	dma.local [hbm:s5], s20  }
0x9e: {  	_ =	swait.ge [sflag:s22], s20  }
0x9f: {  	s4 =	ssub.s32 $0x0, s20;
	[sflag:s22] =	ssyncset.done $0x0  }
0xa0: {  	[sflag:s22] =	ssyncadd.s32 s4;
	_ =	sdelay $0x1  }
0xa1: {  	s23 =	simm.s32 $0x1B8B  }
0xa2: {  	_ =	swait.ge [sflag:s23], $0x1  }
0xa3: {  	[sflag:s23] =	ssyncset.done $0x0  }
0xa4: {  	s25 =	simm.s32 $0x1B8E;
	s24 =	sld [smem:$0x3FFE];
	[sflag:s23] =	ssyncadd.s32 $0xFFFFFFFF  }
0xa5: {  	s26 =	simm.s32 $execute0_lowered;
	[smem:$0x3FD2] =	sst s25  }
0xa6: {  	s5 =	sshll.u32 s26, $0x1;
	_ =	strace $0x80000046;
	[dreg:$0x1] =	wrdreg $0xFFFFFFFF  }
0xa7: {  	s28 =	simm.s32 $_size_execute0_lowered;
	s3 =	sadd.s32 s3, s5;
	[dreg:$0x0] =	wrdreg $0x0  }
0xa8: {  	s5 =	sshll.u32 s28, $0x1;
	[dreg:$0x2] =	wrdreg s3  }
0xa9: {  	[dreg:$0x3] =	wrdreg s5  }
0xaa: {  	[dreg:$0x4] =	wrdreg $0xC0  }
0xab: {  	_ =	task [dreg:s7], $0x5FFFF  }
0xac: {  	[dreg:$0x1] =	wrdreg $0xFFFFFFFF  }
0xad: {  	[dreg:$0x0] =	wrdreg $0x60  }
0xae: {  	[dreg:$0x2] =	wrdreg s2  }
0xaf: {  	[dreg:$0x3] =	wrdreg s24  }
0xb0: {  	[dreg:$0x4] =	wrdreg $0x9  }
0xb1: {  	_ =	task.clear_ibuf [dreg:s7], $0x5FFFF;
	_ =	strace $0x90000046  }
0xb2: {  	s29 =	simm.s32 $0x9;
	_ =	strace $0x80000048  }
0xb3: {  	_ =	swait.ge [sflag:s29], $0x1  }
0xb4: {  	[sflag:s29] =	ssyncadd.s32 $0xFFFFFFFF  }
0xb5: {  	_ =	strace $0x90000048  }
0xb6: {  	_ =	sfence  }
0xb7: {  	s30 =	sld [smem:$0x0];
	_ =	sdelay $0x2  }
0xb8: {  	s31 =	sshll.u32 s1, $0xD;
	s1 =	sshrl.u32 s1, $0x2  }
0xb9: {  	s3 =	sand.u32 $0x4000, s31;
	s1 =	sadd.s32 s1, s30  }
0xba: {  	s0 =	sor.u32 s3, s0;
	s1 =	sshll.u32 s1, $0x11  }
0xbb: {  	s0 =	sor.u32 s1, s0  }
0xbc: {  	s0 =	sadd.s32 $0x8F2B, s0  }
0xbd: {  	[sflag:s0] =	ssyncadd.remote.s32 $0x1  }
0xbe: {  	_ =	sfence.sel $0xFFFF  }
0xbf: {  	[dreg:$0x0] =	wrdreg $0xFFFFFFFF;
	(pc) =	sbr.abs _section_cstart, $3  }
0xc0: {  	[dreg:$0x1] =	wrdreg $0xFFFFFFFF  }
0xc1: {  	_ =	task.clear_ibuf [dreg:s7], $0x2FFFF;
	_ =	strace $0x9FFFFFFF  }
0xc2: {  	(tm) =	ssettm $0x7FFFFFFF  }
0xc3: {  	_ =	shalt  }
tec
execute0_lowered:
.L_overlay_start_1:
0x0: {  	(tag) =	ssettag $0x1  }
0x1: {  	s1 =	srdreg.scid  }
0x2: {  	s3 =	rddreg [dreg:$0x0];
	s0 =	stileid.u32;
	s16 =	sand.u32 $0x1, s1  }
0x3: {  	s14 =	rddreg [dreg:$0x1];
	s4 =	sshll.u32 s0, $0xA;
	s5 =	sshll.u32 s16, $0x9  }
0x4: {  	s2 =	simm.s32 $0x0;
	s1 =	rddreg [dreg:$0x2];
	s15 =	sor.u32 s5, s4  }
0x5: {  	[smem:$0x7FF] =	sst s2;
	s4 =	sshrl.u32 s15, $0x3  }
0x6: {  	_ =	strace $0x80000047;
	s4 =	sadd.s32 s3, s4;
	s3 =	simm.s32 $0x2  }
0x7: {  	[tilespmem:s2], [sflag:$0x2] =	stream.linear.gather [hbm4b:s4+s2], $0x200, $0x38;
	[tilespmem:$0x10200] =	vst v63  }
0x8: {  	_ =	swait.ge [sflag:s3], $0x200  }
0x9: {  	s6 =	simm.s32 $0x80;
	[sflag:s3] =	ssyncset.done $0x0  }
0xa: {  	s7 =	simm.s32 $0x200;
	s5 =	sadd.s32 $0x800, s14;
	[sflag:s3] =	ssyncadd.s32 $0xFFFFFE00  }
0xb: {  	[tilespmem:s7], [sflag:$0x1] =	stream.indirect.gather [hbm4b:s5+s6], $0x80, s2, s6, $0xb8;
	[tilespmem:$0x10200] =	vst v63  }
0xc: {  	s8 =	simm.s32 $0x4200  }
0xd: {  	[tilespmem:s8], [sflag:$0x1] =	stream.indirect.gather [hbm4b:s5+s6], $0x80, s6, s6, $0xb8;
	[tilespmem:$0x10200] =	vst v63  }
0xe: {  	s9 =	simm.s32 $0x100;
	s10 =	simm.s32 $0x8200  }
0xf: {  	[tilespmem:s10], [sflag:$0x1] =	stream.indirect.gather [hbm4b:s5+s6], $0x80, s9, s6, $0xb8;
	[tilespmem:$0x10200] =	vst v63  }
0x10: {  	s11 =	simm.s32 $0x180;
	s12 =	simm.s32 $0xC200;
	s13 =	simm.s32 $0x1  }
0x11: {  	[tilespmem:s12], [sflag:$0x1] =	stream.indirect.gather [hbm4b:s5+s6], $0x80, s11, s6, $0xb8;
	[tilespmem:$0x10200] =	vst v63  }
0x12: {  	_ =	swait.ge [sflag:s13], $0x4000  }
0x13: {  	[sflag:s13] =	ssyncset.done $0x0  }
0x14: {  	[sflag:s13] =	ssyncadd.s32 $0xFFFFC000  }
0x15: {  	_ =	swait.ge [sflag:s13], $0x4000  }
0x16: {  	[sflag:s13] =	ssyncset.done $0x0  }
0x17: {  	[sflag:s13] =	ssyncadd.s32 $0xFFFFC000  }
0x18: {  	_ =	swait.ge [sflag:s13], $0x4000  }
0x19: {  	[sflag:s13] =	ssyncset.done $0x0  }
0x1a: {  	[sflag:s13] =	ssyncadd.s32 $0xFFFFC000  }
0x1b: {  	s15 =	sshll.u32 s15, $0x4;
	_ =	swait.ge [sflag:s13], $0x4000  }
0x1c: {  	s17 =	sadd.s32 s15, s14;
	[sflag:s13] =	ssyncset.done $0x0  }
0x1d: {  	s14 =	sadd.s32 $0xC8800, s17;
	[sflag:s13] =	ssyncadd.s32 $0xFFFFC000  }
0x1e: {  	[hbm4b:s14+s2] =	stream.linear.scatter [tilespmem:s7], [sflag:$0x2], $0x4000, $0x38;
	[tilespmem:$0x10200] =	vst v63  }
0x1f: {  	_ =	swait.ge [sflag:s3], $0x4000  }
0x20: {  	[sflag:s3] =	ssyncset.done $0x0  }
0x21: {  	s18 =	ssub.s32 $0x2, s16;
	s15 =	sadd.s32 $0xC9000, s17;
	[sflag:s3] =	ssyncadd.s32 $0xFFFFC000  }
0x22: {  	[hbm4b:s15+s2] =	stream.linear.scatter [tilespmem:s8], [sflag:$0x2], $0x4000, $0x38;
	[tilespmem:$0x10200] =	vst v63  }
0x23: {  	s19 =	sshrl.u32 s18, $0x1;
	_ =	swait.ge [sflag:s3], $0x4000  }
0x24: {  	s18 =	ssub.s32 s18, s19;
	[sflag:s3] =	ssyncset.done $0x0  }
0x25: {  	s18 =	smax.u32 s18, $0x1;
	s16 =	sadd.s32 $0xC9800, s17;
	[sflag:s3] =	ssyncadd.s32 $0xFFFFC000  }
0x26: {  	[hbm4b:s16+s2] =	stream.linear.scatter [tilespmem:s10], [sflag:$0x2], $0x4000, $0x38;
	[tilespmem:$0x10200] =	vst v63  }
0x27: {  	p0 =	sne.s32 s18, $0x1;
	_ =	swait.ge [sflag:s3], $0x4000  }
.Ltmp0:
0x28: {  	[sflag:s3] =	ssyncset.done $0x0;
	(pc) =	sbr.rel @!p0 .LBB2_2-.Ltmp0, $4  }
0x29: {  	s17 =	sadd.s32 $0xCA000, s17;
	[sflag:s3] =	ssyncadd.s32 $0xFFFFC000  }
0x2a: {  	[hbm4b:s17+s2] =	stream.linear.scatter [tilespmem:s12], [sflag:$0x2], $0x4000, $0x38;
	[tilespmem:$0x10200] =	vst v63  }
0x2b: {  	_ =	swait.ge [sflag:s3], $0x4000  }
0x2c: {  	s18 =	sadd.s32 $0xFFFFFFFF, s18;
	[sflag:s3] =	ssyncset.done $0x0  }
.LBB2_1:
0x2d: {  	p0 =	sne.s32 s18, $0x1;
	s18 =	sadd.s32 $0xFFFFFFFF, s18;
	[sflag:s3] =	ssyncadd.s32 $0xFFFFC000  }
0x2e: {  	[tilespmem:s2], [sflag:$0x2] =	stream.linear.gather [hbm4b:s4+s2], $0x200, $0x38;
	[tilespmem:$0x10200] =	vst v63  }
0x2f: {  	_ =	swait.ge [sflag:s3], $0x200  }
0x30: {  	[sflag:s3] =	ssyncset.done $0x0  }
0x31: {  	[sflag:s3] =	ssyncadd.s32 $0xFFFFFE00  }
0x32: {  	[tilespmem:s7], [sflag:$0x1] =	stream.indirect.gather [hbm4b:s5+s6], $0x80, s2, s6, $0xb8;
	[tilespmem:$0x10200] =	vst v63  }
0x33: {  	_ = 	snop  }
0x34: {  	[tilespmem:s8], [sflag:$0x1] =	stream.indirect.gather [hbm4b:s5+s6], $0x80, s6, s6, $0xb8;
	[tilespmem:$0x10200] =	vst v63  }
0x35: {  	_ = 	snop  }
0x36: {  	[tilespmem:s10], [sflag:$0x1] =	stream.indirect.gather [hbm4b:s5+s6], $0x80, s9, s6, $0xb8;
	[tilespmem:$0x10200] =	vst v63  }
0x37: {  	_ = 	snop  }
0x38: {  	[tilespmem:s12], [sflag:$0x1] =	stream.indirect.gather [hbm4b:s5+s6], $0x80, s11, s6, $0xb8;
	[tilespmem:$0x10200] =	vst v63  }
0x39: {  	_ =	swait.ge [sflag:s13], $0x4000  }
0x3a: {  	[sflag:s13] =	ssyncset.done $0x0  }
0x3b: {  	[sflag:s13] =	ssyncadd.s32 $0xFFFFC000  }
0x3c: {  	_ =	swait.ge [sflag:s13], $0x4000  }
0x3d: {  	[sflag:s13] =	ssyncset.done $0x0  }
0x3e: {  	[sflag:s13] =	ssyncadd.s32 $0xFFFFC000  }
0x3f: {  	_ =	swait.ge [sflag:s13], $0x4000  }
0x40: {  	[sflag:s13] =	ssyncset.done $0x0  }
0x41: {  	[sflag:s13] =	ssyncadd.s32 $0xFFFFC000  }
0x42: {  	_ =	swait.ge [sflag:s13], $0x4000  }
0x43: {  	[sflag:s13] =	ssyncset.done $0x0  }
0x44: {  	[sflag:s13] =	ssyncadd.s32 $0xFFFFC000  }
0x45: {  	[hbm4b:s14+s2] =	stream.linear.scatter [tilespmem:s7], [sflag:$0x2], $0x4000, $0x38;
	[tilespmem:$0x10200] =	vst v63  }
0x46: {  	_ =	swait.ge [sflag:s3], $0x4000  }
0x47: {  	[sflag:s3] =	ssyncset.done $0x0  }
0x48: {  	[sflag:s3] =	ssyncadd.s32 $0xFFFFC000  }
0x49: {  	[hbm4b:s15+s2] =	stream.linear.scatter [tilespmem:s8], [sflag:$0x2], $0x4000, $0x38;
	[tilespmem:$0x10200] =	vst v63  }
0x4a: {  	_ =	swait.ge [sflag:s3], $0x4000  }
0x4b: {  	[sflag:s3] =	ssyncset.done $0x0  }
0x4c: {  	[sflag:s3] =	ssyncadd.s32 $0xFFFFC000  }
0x4d: {  	[hbm4b:s16+s2] =	stream.linear.scatter [tilespmem:s10], [sflag:$0x2], $0x4000, $0x38;
	[tilespmem:$0x10200] =	vst v63  }
0x4e: {  	_ =	swait.ge [sflag:s3], $0x4000  }
.Ltmp1:
0x4f: {  	[sflag:s3] =	ssyncset.done $0x0;
	(pc) =	sbr.rel @p0 .LBB2_1-.Ltmp1, $4  }
0x50: {  	[sflag:s3] =	ssyncadd.s32 $0xFFFFC000  }
0x51: {  	[hbm4b:s17+s2] =	stream.linear.scatter [tilespmem:s12], [sflag:$0x2], $0x4000, $0x38;
	[tilespmem:$0x10200] =	vst v63  }
0x52: {  	_ =	swait.ge [sflag:s3], $0x4000  }
0x53: {  	[sflag:s3] =	ssyncset.done $0x0  }
.LBB2_2:
0x54: {  	[sflag:s3] =	ssyncadd.s32 $0xFFFFC000  }
0x55: {  	_ =	sfence.sel $0x180000  }
0x56: {  	[bflag:$0x0] =	sbarrier.arrive $0xFFFF  }
0x57: {  	p0 =	sne.s32 s0, $0x0;
	_ =	strace $0x90000047  }
0x58: {  	s0 =	sadd.s32 @!p0 $0x100000, s1;
	[bflag:$0x2] =	sbarrier.arrive $0xFFFF  }
0x59: {  	[sflag:s0] =	ssyncadd.tile.s32 @!p0 $0x1;
	_ =	shalt  }
.Lfunc_end2:
_tile_overlayer_lowered:
.L_overlay_start_2:
0x5a: {  	(tag) =	ssettag $0x2  }
0x5b: {  	s0 =	rddreg [dreg:$0x0];
	s2 =	stileid.u32  }
0x5c: {  	s1 =	rddreg [dreg:$0x1];
	p0 =	sne.s32 s2, $0x0  }
0x5d: {  	s3 =	rddreg [dreg:$0x2];
	[bflag:$0x3] =	sbarrier.arrive $0xFFFF;
	s2 =	simm.s32 @!p0 $0x1C02  }
0x5e: {  	[timem:s3], [sflag:s2] =	dma.local @!p0 [hbm:s0], s1  }
0x5f: {  	s0 =	simm.s32 @!p0 $0x2  }
0x60: {  	_ =	swait.ge @!p0 [sflag:s0], s1  }
0x61: {  	s1 =	ssub.s32 @!p0 $0x0, s1;
	[sflag:s0] =	ssyncset.done @!p0 $0x0  }
0x62: {  	[sflag:s0] =	ssyncadd.s32 @!p0 s1  }
0x63: {  	[bflag:$0x3] =	sbarrier.arrive $0xFFFF  }
0x64: {  	_ =	shalt  }

</sc_bundles>
